<compile_context>
chip_gen: v7x
topology: tpu7x:2x2x1
jax: 0.10.2.dev20260603
libtpu: 0.0.44.dev20260713+nightly
codegen_flags: <defaults>
</compile_context>

<pallas_src>
import functools

import jax
import jax.numpy as jnp
from jax import lax
from jax.experimental import pallas as pl
from jax.experimental.pallas import tpu as pltpu
from jax.experimental.pallas import tpu_sc as plsc

NC = 80


def _corners(cx, cy, w, h):
    x1 = cx - w / 2
    y1 = cy - h / 2
    x2 = cx + w / 2
    y2 = cy + h / 2
    return y1, x1, y2, x2


def _inter_ue(g_cx, g_cy, g_w, g_h, p_cx, p_cy, p_w, p_h):
    gy1, gx1, gy2, gx2 = _corners(g_cx, g_cy, g_w, g_h)
    py1, px1, py2, px2 = _corners(p_cx, p_cy, p_w, p_h)
    in_ymin = jnp.maximum(gy1, py1)
    in_xmin = jnp.maximum(gx1, px1)
    in_ymax = jnp.minimum(gy2, py2)
    in_xmax = jnp.minimum(gx2, px2)
    in_w = jnp.maximum(0.0, in_xmax - in_xmin)
    in_h = jnp.maximum(0.0, in_ymax - in_ymin)
    inter = in_w * in_h
    pa_eps = p_w * p_h + 1e-5
    ue = ((g_w * g_h) + pa_eps) - inter
    return inter, ue


def _split_gt(gt):
    g_cx = gt[:, 0:1]
    g_cy = gt[:, 1:2]
    g_w = gt[:, 2:3]
    g_h = gt[:, 3:4]
    return g_cx, g_cy, g_w, g_h


def _argmax_kernel(gt_ref, px_ref, py_ref, pw_ref, ph_ref, best_ref, *,
                   num_pr):
    gt = gt_ref[0]
    g_cx, g_cy, g_w, g_h = _split_gt(gt)
    inter, ue = _inter_ue(g_cx, g_cy, g_w, g_h,
                          px_ref[0], py_ref[0], pw_ref[0], ph_ref[0])
    iou = inter / ue
    bmax = jnp.max(iou, axis=1, keepdims=True)
    pidx = jax.lax.broadcasted_iota(jnp.int32, iou.shape, 1)
    barg = jnp.min(jnp.where(iou == bmax, pidx, num_pr), axis=1, keepdims=True)
    best_ref[0] = barg


def _assign_kernel(gt_ref, px_ref, py_ref, pw_ref, ph_ref,
                   bx_ref, by_ref, bw_ref, bh_ref, best_ref, packed_ref,
                   *, blk):
    pb = pl.program_id(1)
    gt = gt_ref[0]
    ng = gt.shape[0]
    g_cx, g_cy, g_w, g_h = _split_gt(gt)
    g_cls = gt[:, 4:5]
    g_conf = gt[:, 5:6]

    inter, ue = _inter_ue(g_cx, g_cy, g_w, g_h,
                          px_ref[0], py_ref[0], pw_ref[0], ph_ref[0])
    thr = (inter + inter) >= ue
    ign = (2.5 * inter >= ue) & (~thr)

    pidx = jax.lax.broadcasted_iota(jnp.int32, (1, blk), 1) + pb * blk
    best = best_ref[0]
    best_x = jnp.where(g_conf > 0.0, best, -7)
    is_best = pidx == best_x

    g_iota = jax.lax.broadcasted_iota(jnp.int32, (ng, 1), 0)
    cls_i = g_cls.astype(jnp.int32)
    v_thr = g_iota * 128 + cls_i
    v_best = v_thr + ng * 128
    score = jnp.where(is_best, v_best, jnp.where(thr, v_thr, -1))
    smax = jnp.max(score, axis=0, keepdims=True)
    matched = smax >= 0
    cls_true = jnp.where(matched, smax & 127, NC).astype(jnp.float32)

    cnt = thr.astype(jnp.float32) + is_best.astype(jnp.float32)
    lgw = jnp.log(jnp.where(g_w > 0.0, g_w, 1.0))
    lgh = jnp.log(jnp.where(g_h > 0.0, g_h, 1.0))
    wmat = jnp.transpose(jnp.concatenate(
        [jnp.ones_like(g_cx), g_cx, g_cy, lgw, lgh], axis=1))
    sums = jax.lax.dot_general(
        wmat, cnt, (((1,), (0,)), ((), ())),
        precision=jax.lax.Precision.HIGHEST,
        preferred_element_type=jnp.float32)
    s_cnt = sums[0:1, :]
    s_cx = sums[1:2, :]
    s_cy = sums[2:3, :]
    s_lw = sums[3:4, :]
    s_lh = sums[4:5, :]
    b_cx = bx_ref[0]
    b_cy = by_ref[0]
    b_w = bw_ref[0]
    b_h = bh_ref[0]
    l0 = (s_cx - b_cx * s_cnt) / b_w
    l1 = (s_cy - b_cy * s_cnt) / b_h
    l2 = s_lw - s_cnt * jnp.log(b_w)
    l3 = s_lh - s_cnt * jnp.log(b_h)

    bg = (~matched).astype(jnp.float32)
    ignore_any = jnp.max(ign.astype(jnp.int32), axis=0, keepdims=True) > 0
    amask = jnp.where(ignore_any, -1.0, bg)

    zeros2 = jnp.zeros((2, blk), jnp.float32)
    packed = jnp.concatenate(
        [cls_true, l0, l1, l2, l3, amask, zeros2], axis=0)
    packed_ref[0] = jnp.transpose(packed)


def _sc_emit_kernel(packed_hbm, cls_hbm, loc_hbm, msk_hbm,
                    pk_v, cls_v, loc_v, msk_v, *, npp, n_per_w, chunk):
    wid = lax.axis_index("s") * 2 + lax.axis_index("c")
    n_batch = 20000 // n_per_w
    b = wid // n_batch
    p0 = (wid % n_batch) * n_per_w
    iota = lax.iota(jnp.int32, 16)
    last = n_per_w - 1

    pltpu.sync_copy(
        packed_hbm.at[pl.ds((b * npp + p0) * 8, n_per_w * 8)], pk_v)

    def loc_body(i, carry):
        pe = jnp.minimum(i * 16 + iota, last)
        base8 = pe * 8
        for c in range(4):
            v = plsc.load_gather(pk_v, [base8 + (1 + c)])
            plsc.store_scatter(loc_v, [pe * 4 + c], v)
        mk = plsc.load_gather(pk_v, [base8 + 5])
        plsc.store_scatter(msk_v, [pe], mk)
        return carry

    lax.fori_loop(0, (n_per_w + 15) // 16, loc_body, 0)
    pltpu.sync_copy(loc_v, loc_hbm.at[pl.ds(wid * (n_per_w * 4), n_per_w * 4)])
    pltpu.sync_copy(msk_v, msk_hbm.at[pl.ds(wid * n_per_w, n_per_w)])

    def zero_body(z, carry):
        cls_v[pl.ds(z * 16, 16)] = jnp.zeros((16,), jnp.float32)
        return carry

    lax.fori_loop(0, chunk * NC // 16, zero_body, 0)

    steps = (chunk + 15) // 16

    def make_patch_body(base, matched_value):
        def body(j, carry):
            pe = jnp.minimum(base + j * 16 + iota, base + (chunk - 1))
            lbl = plsc.load_gather(pk_v, [pe * 8]).astype(jnp.int32)
            off = (pe - base) * NC + jnp.minimum(lbl, NC - 1)
            if matched_value:
                val = jnp.where(lbl < NC, 1.0, 0.0).astype(jnp.float32)
            else:
                val = jnp.zeros((16,), jnp.float32)
            plsc.store_scatter(cls_v, [off], val)
            return carry

        return body

    def chunk_body(ch, carry):
        base = ch * chunk
        lax.fori_loop(0, steps, make_patch_body(base, True), 0)
        pltpu.sync_copy(
            cls_v, cls_hbm.at[pl.ds((wid * n_per_w + base) * NC, chunk * NC)])
        lax.fori_loop(0, steps, make_patch_body(base, False), 0)
        return carry

    lax.fori_loop(0, n_per_w // chunk, chunk_body, 0)


@jax.jit
def kernel(gt_boxes, pr_boxes):
    B, NG, _ = gt_boxes.shape
    _, NP, _ = pr_boxes.shape
    blk = 4096
    npad = -NP % blk
    NPP = NP + npad
    pb_steps = NPP // blk

    gt_valid = gt_boxes[:, :, 0:1] != -1.0
    gt_clean = jnp.where(gt_valid, gt_boxes, jnp.zeros((), jnp.float32))
    gt_clean = jnp.concatenate([gt_clean[:, :, :5], gt_boxes[:, :, 5:6]],
                               axis=-1)

    comp = jnp.pad(pr_boxes, ((0, 0), (0, npad), (0, 0)))
    px = comp[:, :, 0].reshape(B, 1, NPP)
    py = comp[:, :, 1].reshape(B, 1, NPP)
    pw = comp[:, :, 2].reshape(B, 1, NPP)
    ph = comp[:, :, 3].reshape(B, 1, NPP)

    full_spec = lambda: pl.BlockSpec((1, 1, NPP), lambda b: (0, 0, 0))
    row_spec = lambda f: pl.BlockSpec((1, 1, blk), f)
    b0 = lambda b, p: (0, 0, p)
    bb = lambda b, p: (b, 0, p)

    best = pl.pallas_call(
        functools.partial(_argmax_kernel, num_pr=NPP),
        grid=(B,),
        in_specs=[
            pl.BlockSpec((1, NG, 6), lambda b: (b, 0, 0)),
            full_spec(), full_spec(), full_spec(), full_spec(),
        ],
        out_specs=pl.BlockSpec((1, NG, 1), lambda b: (b, 0, 0)),
        out_shape=jax.ShapeDtypeStruct((B, NG, 1), jnp.int32),
    )(gt_clean, px, py, pw, ph)

    packed = pl.pallas_call(
        functools.partial(_assign_kernel, blk=blk),
        grid=(B, pb_steps),
        in_specs=[
            pl.BlockSpec((1, NG, 6), lambda b, p: (b, 0, 0)),
            row_spec(b0), row_spec(b0), row_spec(b0), row_spec(b0),
            row_spec(bb), row_spec(bb), row_spec(bb), row_spec(bb),
            pl.BlockSpec((1, NG, 1), lambda b, p: (b, 0, 0)),
        ],
        out_specs=pl.BlockSpec((1, blk, 8), lambda b, p: (b, p, 0)),
        out_shape=jax.ShapeDtypeStruct((B, NPP, 8), jnp.float32),
    )(gt_clean, px, py, pw, ph, px, py, pw, ph, best)

    n_per_w = (B * NP) // 32
    chunk = 500
    mesh = plsc.VectorSubcoreMesh(core_axis_name="c", subcore_axis_name="s")
    sc_emit = pl.kernel(
        functools.partial(_sc_emit_kernel, npp=NPP, n_per_w=n_per_w,
                          chunk=chunk),
        mesh=mesh,
        compiler_params=pltpu.CompilerParams(needs_layout_passes=False),
        out_type=[
            jax.ShapeDtypeStruct((B * NP * NC,), jnp.float32),
            jax.ShapeDtypeStruct((B * NP * 4,), jnp.float32),
            jax.ShapeDtypeStruct((B * NP,), jnp.float32),
        ],
        scratch_types=[
            pltpu.VMEM((n_per_w * 8,), jnp.float32),
            pltpu.VMEM((chunk * NC,), jnp.float32),
            pltpu.VMEM((n_per_w * 4,), jnp.float32),
            pltpu.VMEM((n_per_w,), jnp.float32),
        ],
    )
    cls_out, loc_true, amask = sc_emit(packed.reshape(-1))

    return (cls_out.reshape(B, NP, NC), loc_true.reshape(B, NP, 4),
            amask.reshape(B, NP, 1))

# --- scband reference (transcript-rebuilt; emitter-appended) ---
"""Pipeline reference for scband-assign-boxes-36807869727184 (READ-ONLY COPY).

The authoritative reference and input builder live on the scoring server;
editing this copy changes nothing except your own understanding.
"""

import jax, jax.numpy as jnp
import numpy as np

NUM_CLASSES = 80

def _normalize_boxes(boxes):
    image_height = 1.0
    image_width = 1.0
    cx, cy, w, h = boxes[..., 0], boxes[..., 1], boxes[..., 2], boxes[..., 3]
    x1 = (cx - w / 2) / image_width
    y1 = (cy - h / 2) / image_height
    x2 = (cx + w / 2) / image_width
    y2 = (cy + h / 2) / image_height
    return jnp.stack([y1, x1, y2, x2], axis=-1)

def _calculate_iou(aa_boxes, bb_boxes):
    aa_area = bb_boxes[:, 2] * bb_boxes[:, 3]
    bb_area = aa_boxes[:, 2] * aa_boxes[:, 3]
    areas = aa_area[None, :] + bb_area[:, None]
    aa_n = _normalize_boxes(aa_boxes[:, :4])[:, None]
    bb_n = _normalize_boxes(bb_boxes[:, :4])[None, :]
    ay1, ax1, ay2, ax2 = aa_n[..., 0], aa_n[..., 1], aa_n[..., 2], aa_n[..., 3]
    by1, bx1, by2, bx2 = bb_n[..., 0], bb_n[..., 1], bb_n[..., 2], bb_n[..., 3]
    in_ymin = jnp.maximum(by1, ay1)
    in_xmin = jnp.maximum(bx1, ax1)
    in_ymax = jnp.minimum(by2, ay2)
    in_xmax = jnp.minimum(bx2, ax2)
    in_width = jnp.maximum(0.0, in_xmax - in_xmin)
    in_height = jnp.maximum(0.0, in_ymax - in_ymin)
    intersection = in_width * in_height
    union = areas - intersection
    return intersection / (union + 1e-05)

def setup_inputs(seed: int = 0):
    key = jax.random.key(seed)
    k1, k2, k3, k4, k5 = jax.random.split(key, 5)
    B, NG, NP = 8, 64, 20000
    gt_cxcy = jax.random.uniform(k1, (B, NG, 2), minval=0.1, maxval=0.9)
    gt_wh = jax.random.uniform(k2, (B, NG, 2), minval=0.05, maxval=0.4)
    gt_cls = jax.random.randint(k3, (B, NG, 1), 0, NUM_CLASSES).astype(jnp.float32)
    gt_conf = jnp.ones((B, NG, 1), jnp.float32)
    gt_boxes = jnp.concatenate([gt_cxcy, gt_wh, gt_cls, gt_conf], axis=-1)
    valid = (jnp.arange(NG) < 48)[None, :, None]
    gt_boxes = jnp.where(valid, gt_boxes, -jnp.ones_like(gt_boxes))
    pr_cxcy = jax.random.uniform(k4, (B, NP, 2), minval=0.0, maxval=1.0)
    pr_wh = jax.random.uniform(k5, (B, NP, 2), minval=0.02, maxval=0.5)
    pr_boxes = jnp.concatenate([pr_cxcy, pr_wh], axis=-1)
    return {"gt_boxes": gt_boxes, "pr_boxes": pr_boxes}

def reference(gt_boxes, pr_boxes):
    B, NG, _ = gt_boxes.shape
    _, NP, _ = pr_boxes.shape
    num_classes = NUM_CLASSES
    gt_labels = gt_boxes[..., -2]
    gt_confidence = gt_boxes[..., -1]
    iou = _calculate_iou(gt_boxes[..., :4].reshape(-1, 4), pr_boxes[0]).reshape(B, NG, NP)
    mask = (gt_boxes[..., 0] != -1.0).astype(jnp.float32)
    iou = iou * mask[..., None]
    mb, mg, mp = jnp.nonzero(iou >= 0.5, size=B * NG * NP, fill_value=(0, 0, NP))
    match_indices = jnp.stack([mb, mg, mp], axis=1)
    gts, bs = jnp.meshgrid(jnp.arange(NG), jnp.arange(B))
    indices = jnp.stack([bs.reshape(-1), gts.reshape(-1)], axis=1)
    top_indices = jnp.argmax(iou.reshape(-1, NP), axis=1)
    top_indices = jnp.where(gt_confidence.reshape(-1) > 0.0, top_indices, NP)
    best_indices = jnp.concatenate([indices, top_indices[:, None]], axis=1)
    match_indices = jnp.concatenate([match_indices, best_indices], axis=0)
    b_idx, g_idx, p_idx = match_indices[:, 0], match_indices[:, 1], match_indices[:, 2]
    cls_true = jnp.ones((B, NP)) * -1.0
    cls_true = cls_true.at[b_idx, p_idx].set(gt_labels[b_idx, g_idx])
    cls_true = jnp.where(cls_true != -1.0, cls_true, jnp.ones_like(cls_true) * num_classes)
    cls_onehot = jax.nn.one_hot(cls_true.astype(jnp.int32), num_classes + 1)
    assign_mask = cls_onehot[..., -1]
    ignore_mask = jnp.sum(((iou < 0.5) & (iou >= 0.4)).astype(jnp.int32), axis=1)
    assign_mask = jnp.where(ignore_mask > 0, -jnp.ones_like(assign_mask), assign_mask)
    p = pr_boxes[b_idx, p_idx]
    g = gt_boxes[b_idx, g_idx, :4]
    p_cx, p_cy, p_w, p_h = p[:, 0], p[:, 1], p[:, 2], p[:, 3]
    g_cx, g_cy, g_w, g_h = g[:, 0], g[:, 1], g[:, 2], g[:, 3]
    hat_g_cx = (g_cx - p_cx) / p_w
    hat_g_cy = (g_cy - p_cy) / p_h
    hat_g_w = jnp.log(g_w / p_w)
    hat_g_h = jnp.log(g_h / p_h)
    z = jnp.zeros((B, NP))
    hcx = z.at[b_idx, p_idx].add(hat_g_cx)
    hcy = z.at[b_idx, p_idx].add(hat_g_cy)
    hw = z.at[b_idx, p_idx].add(hat_g_w)
    hh = z.at[b_idx, p_idx].add(hat_g_h)
    cls_out = cls_onehot[..., :num_classes]
    loc_true = jnp.stack([hcx, hcy, hw, hh], axis=2)
    return (cls_out, loc_true, assign_mask[..., None])

if __name__ == "__main__":
    import jax
    _d = setup_inputs()
    print(jax.jit(kernel)(*tuple(_d.values())))

</pallas_src>

<mosaic_0001>
#map = affine_map<(d0, d1) -> (0)>
module attributes {stable_mosaic.version = 14 : i64} {
  func.func @_sc_emit_kernel(%arg0: i32, %arg1: i32, %arg2: memref<1310720xf32, #tpu.memory_space<hbm>>, %arg3: memref<12800000xf32, #tpu.memory_space<hbm>>, %arg4: memref<640000xf32, #tpu.memory_space<hbm>>, %arg5: memref<160000xf32, #tpu.memory_space<hbm>>, %arg6: memref<40000xf32, #tpu.memory_space<vmem>>, %arg7: memref<40000xf32, #tpu.memory_space<vmem>>, %arg8: memref<20000xf32, #tpu.memory_space<vmem>>, %arg9: memref<5000xf32, #tpu.memory_space<vmem>>) attributes {dimension_semantics = [#tpu.dimension_semantics<core_parallel>, #tpu.dimension_semantics<subcore_parallel>], iteration_bounds = array<i64: 2, 16>, scalar_prefetch = 0 : i64, scratch_operands = 4 : i64, tpu.core_type = #tpu.core_type<sc_vector_subcore>, window_params = [{transform_indices = #map}, {transform_indices = #map}, {transform_indices = #map}, {transform_indices = #map}]} {
    %mul3A = arith.constant 2 : i32
    %mul3A_0 = arith.muli %arg1, %mul3A : i32
    %add3A = arith.addi %mul3A_0, %arg0 : i32
    %jit3A = arith.constant 4 : i32
    %div3A = arith.divsi %add3A, %jit3A : i32
    %sign3A = arith.constant 0 : i32
    %sign3A_1 = arith.cmpi sgt, %add3A, %sign3A : i32
    %sign3A_2 = arith.extui %sign3A_1 : i1 to i32
    %sign3A_3 = arith.constant 0 : i32
    %sign3A_4 = arith.cmpi slt, %add3A, %sign3A_3 : i32
    %sign3A_5 = arith.extui %sign3A_4 : i1 to i32
    %sign3A_6 = arith.subi %sign3A_2, %sign3A_5 : i32
    %sign3A_7 = arith.constant 0 : i32
    %sign3A_8 = arith.cmpi sgt, %jit3A, %sign3A_7 : i32
    %sign3A_9 = arith.extui %sign3A_8 : i1 to i32
    %sign3A_10 = arith.constant 0 : i32
    %sign3A_11 = arith.cmpi slt, %jit3A, %sign3A_10 : i32
    %sign3A_12 = arith.extui %sign3A_11 : i1 to i32
    %sign3A_13 = arith.subi %sign3A_9, %sign3A_12 : i32
    %ne3A = arith.cmpi ne, %sign3A_6, %sign3A_13 : i32
    %rem3A = arith.remsi %add3A, %jit3A : i32
    %ne3A_14 = arith.constant 0 : i32
    %ne3A_15 = arith.cmpi ne, %rem3A, %ne3A_14 : i32
    %and3A = arith.andi %ne3A, %ne3A_15 : i1
    %sub3A = arith.constant 1 : i32
    %sub3A_16 = arith.subi %div3A, %sub3A : i32
    %select_n3A = arith.select %and3A, %sub3A_16, %div3A : i32
    %jit3A_17 = arith.constant 4 : i32
    %eq3A = arith.constant 0 : i32
    %eq3A_18 = arith.cmpi eq, %jit3A_17, %eq3A : i32
    %jit3A_19 = arith.constant 1 : i32
    %select_n3A_20 = arith.select %eq3A_18, %jit3A_19, %jit3A_17 : i32
    %rem3A_21 = arith.remsi %add3A, %select_n3A_20 : i32
    %ne3A_22 = arith.constant 0 : i32
    %ne3A_23 = arith.cmpi ne, %rem3A_21, %ne3A_22 : i32
    %lt3A = arith.constant 0 : i32
    %lt3A_24 = arith.cmpi slt, %rem3A_21, %lt3A : i32
    %lt3A_25 = arith.constant 0 : i32
    %lt3A_26 = arith.cmpi slt, %select_n3A_20, %lt3A_25 : i32
    %ne3A_27 = arith.xori %lt3A_24, %lt3A_26 : i1
    %and3A_28 = arith.andi %ne3A_27, %ne3A_23 : i1
    %add3A_29 = arith.addi %rem3A_21, %select_n3A_20 : i32
    %select_n3A_30 = arith.select %and3A_28, %add3A_29, %rem3A_21 : i32
    %mul3A_31 = arith.constant 5000 : i32
    %mul3A_32 = arith.muli %select_n3A_30, %mul3A_31 : i32
    %iota3A = tpu.iota {dimensions = array<i32: 0>} : vector<16xi32>
    %mul3A_33 = arith.constant 20480 : i32
    %mul3A_34 = arith.muli %select_n3A, %mul3A_33 : i32
    %add3A_35 = arith.addi %mul3A_34, %mul3A_32 : i32
    %mul3A_36 = arith.constant 8 : i32
    %mul3A_37 = arith.muli %add3A_35, %mul3A_36 : i32
    "tpu.region"() ({
      %run_scoped3A = tpu.sem_alloc : memref<!tpu.dma_semaphore, #tpu.memory_space<semaphore_mem>>
      %dma_start3A = tpu.memref_slice %arg2[%mul3A_37] : memref<1310720xf32, #tpu.memory_space<hbm>> -> memref<40000xf32, #tpu.memory_space<hbm>>
      %dma_start3A_59 = tpu.memref_slice %arg2[%mul3A_37] : memref<1310720xf32, #tpu.memory_space<hbm>> -> memref<40000xf32, #tpu.memory_space<hbm>>
      tpu.enqueue_dma source(%dma_start3A_59 : memref<40000xf32, #tpu.memory_space<hbm>>) target(%arg6 : memref<40000xf32, #tpu.memory_space<vmem>>) target_semaphore(%run_scoped3A : memref<!tpu.dma_semaphore, #tpu.memory_space<semaphore_mem>>)
      %dma_wait3A = tpu.memref_slice %arg2[%mul3A_37] : memref<1310720xf32, #tpu.memory_space<hbm>> -> memref<40000xf32, #tpu.memory_space<hbm>>
      %dma_wait3A_60 = tpu.memref_slice %arg2[%mul3A_37] : memref<1310720xf32, #tpu.memory_space<hbm>> -> memref<40000xf32, #tpu.memory_space<hbm>>
      tpu.wait_dma2 semaphore(%run_scoped3A : memref<!tpu.dma_semaphore, #tpu.memory_space<semaphore_mem>>) src(%dma_wait3A_60 : memref<40000xf32, #tpu.memory_space<hbm>>) dst(%arg6 : memref<40000xf32, #tpu.memory_space<vmem>>)
      tpu.yield
    }) : () -> ()
    %scan3A = arith.constant 0 : i32
    %scan3A_38 = arith.constant 0 : i32
    %scan3A_39 = arith.constant 313 : i32
    %scan3A_40 = arith.addi %scan3A_38, %scan3A_39 : i32
    %scan3A_41 = arith.constant 1 : i32
    scf.for %scan3A_59 = %scan3A_38 to %scan3A_40 step %scan3A_41  : i32 {
      %mul3A_60 = arith.constant 16 : i32
      %mul3A_61 = arith.muli %scan3A_59, %mul3A_60 : i32
      %add3A_62 = vector.broadcast %mul3A_61 : i32 to vector<16xi32>
      %add3A_63 = arith.addi %add3A_62, %iota3A : vector<16xi32>
      %min3A = arith.constant 4999 : i32
      %min3A_64 = vector.broadcast %min3A : i32 to vector<16xi32>
      %min3A_65 = arith.minsi %add3A_63, %min3A_64 : vector<16xi32>
      %mul3A_66 = arith.constant 8 : i32
      %mul3A_67 = vector.broadcast %mul3A_66 : i32 to vector<16xi32>
      %mul3A_68 = arith.muli %min3A_65, %mul3A_67 : vector<16xi32>
      %add3A_69 = arith.constant 1 : i32
      %add3A_70 = vector.broadcast %add3A_69 : i32 to vector<16xi32>
      %add3A_71 = arith.addi %mul3A_68, %add3A_70 : vector<16xi32>
      %gather3A = tpu.vector_load_idx %arg6[%add3A_71] : memref<40000xf32, #tpu.memory_space<vmem>>[vector<16xi32>], vector<16xf32>,
      %mul3A_72 = arith.constant 4 : i32
      %mul3A_73 = vector.broadcast %mul3A_72 : i32 to vector<16xi32>
      %mul3A_74 = arith.muli %min3A_65, %mul3A_73 : vector<16xi32>
      %add3A_75 = arith.constant 0 : i32
      %add3A_76 = vector.broadcast %add3A_75 : i32 to vector<16xi32>
      %add3A_77 = arith.addi %mul3A_74, %add3A_76 : vector<16xi32>
      tpu.vector_store_idx %arg8[%add3A_77], %gather3A : memref<20000xf32, #tpu.memory_space<vmem>>[vector<16xi32>], vector<16xf32>,
      %add3A_78 = arith.constant 2 : i32
      %add3A_79 = vector.broadcast %add3A_78 : i32 to vector<16xi32>
      %add3A_80 = arith.addi %mul3A_68, %add3A_79 : vector<16xi32>
      %gather3A_81 = tpu.vector_load_idx %arg6[%add3A_80] : memref<40000xf32, #tpu.memory_space<vmem>>[vector<16xi32>], vector<16xf32>,
      %mul3A_82 = arith.constant 4 : i32
      %mul3A_83 = vector.broadcast %mul3A_82 : i32 to vector<16xi32>
      %mul3A_84 = arith.muli %min3A_65, %mul3A_83 : vector<16xi32>
      %add3A_85 = arith.constant 1 : i32
      %add3A_86 = vector.broadcast %add3A_85 : i32 to vector<16xi32>
      %add3A_87 = arith.addi %mul3A_84, %add3A_86 : vector<16xi32>
      tpu.vector_store_idx %arg8[%add3A_87], %gather3A_81 : memref<20000xf32, #tpu.memory_space<vmem>>[vector<16xi32>], vector<16xf32>,
      %add3A_88 = arith.constant 3 : i32
      %add3A_89 = vector.broadcast %add3A_88 : i32 to vector<16xi32>
      %add3A_90 = arith.addi %mul3A_68, %add3A_89 : vector<16xi32>
      %gather3A_91 = tpu.vector_load_idx %arg6[%add3A_90] : memref<40000xf32, #tpu.memory_space<vmem>>[vector<16xi32>], vector<16xf32>,
      %mul3A_92 = arith.constant 4 : i32
      %mul3A_93 = vector.broadcast %mul3A_92 : i32 to vector<16xi32>
      %mul3A_94 = arith.muli %min3A_65, %mul3A_93 : vector<16xi32>
      %add3A_95 = arith.constant 2 : i32
      %add3A_96 = vector.broadcast %add3A_95 : i32 to vector<16xi32>
      %add3A_97 = arith.addi %mul3A_94, %add3A_96 : vector<16xi32>
      tpu.vector_store_idx %arg8[%add3A_97], %gather3A_91 : memref<20000xf32, #tpu.memory_space<vmem>>[vector<16xi32>], vector<16xf32>,
      %add3A_98 = arith.constant 4 : i32
      %add3A_99 = vector.broadcast %add3A_98 : i32 to vector<16xi32>
      %add3A_100 = arith.addi %mul3A_68, %add3A_99 : vector<16xi32>
      %gather3A_101 = tpu.vector_load_idx %arg6[%add3A_100] : memref<40000xf32, #tpu.memory_space<vmem>>[vector<16xi32>], vector<16xf32>,
      %mul3A_102 = arith.constant 4 : i32
      %mul3A_103 = vector.broadcast %mul3A_102 : i32 to vector<16xi32>
      %mul3A_104 = arith.muli %min3A_65, %mul3A_103 : vector<16xi32>
      %add3A_105 = arith.constant 3 : i32
      %add3A_106 = vector.broadcast %add3A_105 : i32 to vector<16xi32>
      %add3A_107 = arith.addi %mul3A_104, %add3A_106 : vector<16xi32>
      tpu.vector_store_idx %arg8[%add3A_107], %gather3A_101 : memref<20000xf32, #tpu.memory_space<vmem>>[vector<16xi32>], vector<16xf32>,
      %add3A_108 = arith.constant 5 : i32
      %add3A_109 = vector.broadcast %add3A_108 : i32 to vector<16xi32>
      %add3A_110 = arith.addi %mul3A_68, %add3A_109 : vector<16xi32>
      %gather3A_111 = tpu.vector_load_idx %arg6[%add3A_110] : memref<40000xf32, #tpu.memory_space<vmem>>[vector<16xi32>], vector<16xf32>,
      tpu.vector_store_idx %arg9[%min3A_65], %gather3A_111 : memref<5000xf32, #tpu.memory_space<vmem>>[vector<16xi32>], vector<16xf32>,
    }
    %scan3A_42 = arith.constant 313 : i32
    %mul3A_43 = arith.constant 20000 : i32
    %mul3A_44 = arith.muli %add3A, %mul3A_43 : i32
    "tpu.region"() ({
      %run_scoped3A = tpu.sem_alloc : memref<!tpu.dma_semaphore, #tpu.memory_space<semaphore_mem>>
      %dma_start3A = tpu.memref_slice %arg4[%mul3A_44] : memref<640000xf32, #tpu.memory_space<hbm>> -> memref<20000xf32, #tpu.memory_space<hbm>>
      %dma_start3A_59 = tpu.memref_slice %arg4[%mul3A_44] : memref<640000xf32, #tpu.memory_space<hbm>> -> memref<20000xf32, #tpu.memory_space<hbm>>
      tpu.enqueue_dma source(%arg8 : memref<20000xf32, #tpu.memory_space<vmem>>) target(%dma_start3A_59 : memref<20000xf32, #tpu.memory_space<hbm>>) target_semaphore(%run_scoped3A : memref<!tpu.dma_semaphore, #tpu.memory_space<semaphore_mem>>)
      %dma_wait3A = tpu.memref_slice %arg4[%mul3A_44] : memref<640000xf32, #tpu.memory_space<hbm>> -> memref<20000xf32, #tpu.memory_space<hbm>>
      %dma_wait3A_60 = tpu.memref_slice %arg4[%mul3A_44] : memref<640000xf32, #tpu.memory_space<hbm>> -> memref<20000xf32, #tpu.memory_space<hbm>>
      tpu.wait_dma2 semaphore(%run_scoped3A : memref<!tpu.dma_semaphore, #tpu.memory_space<semaphore_mem>>) src(%arg8 : memref<20000xf32, #tpu.memory_space<vmem>>) dst(%dma_wait3A_60 : memref<20000xf32, #tpu.memory_space<hbm>>)
      tpu.yield
    }) : () -> ()
    %mul3A_45 = arith.constant 5000 : i32
    %mul3A_46 = arith.muli %add3A, %mul3A_45 : i32
    "tpu.region"() ({
      %run_scoped3A = tpu.sem_alloc : memref<!tpu.dma_semaphore, #tpu.memory_space<semaphore_mem>>
      %dma_start3A = tpu.memref_slice %arg5[%mul3A_46] : memref<160000xf32, #tpu.memory_space<hbm>> -> memref<5000xf32, #tpu.memory_space<hbm>>
      %dma_start3A_59 = tpu.memref_slice %arg5[%mul3A_46] : memref<160000xf32, #tpu.memory_space<hbm>> -> memref<5000xf32, #tpu.memory_space<hbm>>
      tpu.enqueue_dma source(%arg9 : memref<5000xf32, #tpu.memory_space<vmem>>) target(%dma_start3A_59 : memref<5000xf32, #tpu.memory_space<hbm>>) target_semaphore(%run_scoped3A : memref<!tpu.dma_semaphore, #tpu.memory_space<semaphore_mem>>)
      %dma_wait3A = tpu.memref_slice %arg5[%mul3A_46] : memref<160000xf32, #tpu.memory_space<hbm>> -> memref<5000xf32, #tpu.memory_space<hbm>>
      %dma_wait3A_60 = tpu.memref_slice %arg5[%mul3A_46] : memref<160000xf32, #tpu.memory_space<hbm>> -> memref<5000xf32, #tpu.memory_space<hbm>>
      tpu.wait_dma2 semaphore(%run_scoped3A : memref<!tpu.dma_semaphore, #tpu.memory_space<semaphore_mem>>) src(%arg9 : memref<5000xf32, #tpu.memory_space<vmem>>) dst(%dma_wait3A_60 : memref<5000xf32, #tpu.memory_space<hbm>>)
      tpu.yield
    }) : () -> ()
    %scan3A_47 = arith.constant 0 : i32
    %scan3A_48 = arith.constant 0 : i32
    %scan3A_49 = arith.constant 2500 : i32
    %scan3A_50 = arith.addi %scan3A_48, %scan3A_49 : i32
    %scan3A_51 = arith.constant 1 : i32
    scf.for %scan3A_59 = %scan3A_48 to %scan3A_50 step %scan3A_51  : i32 {
      %broadcast_in_dim3A = arith.constant 0.000000e+00 : f32
      %broadcast_in_dim3A_60 = vector.broadcast %broadcast_in_dim3A : f32 to vector<16xf32>
      %mul3A_61 = arith.constant 16 : i32
      %mul3A_62 = arith.muli %scan3A_59, %mul3A_61 : i32
      %swap3A = arith.index_cast %mul3A_62 : i32 to index
      %swap3A_63 = tpu.vector_load %arg7[%swap3A] {strides = array<i32>} : memref<40000xf32, #tpu.memory_space<vmem>>, vector<16xf32>,
      tpu.vector_store %arg7[%swap3A], %broadcast_in_dim3A_60 {strides = array<i32>} : memref<40000xf32, #tpu.memory_space<vmem>>, vector<16xf32>,
    }
    %scan3A_52 = arith.constant 2500 : i32
    %scan3A_53 = arith.constant 0 : i32
    %scan3A_54 = arith.constant 0 : i32
    %scan3A_55 = arith.constant 10 : i32
    %scan3A_56 = arith.addi %scan3A_54, %scan3A_55 : i32
    %scan3A_57 = arith.constant 1 : i32
    scf.for %scan3A_59 = %scan3A_54 to %scan3A_56 step %scan3A_57  : i32 {
      %mul3A_60 = arith.constant 500 : i32
      %mul3A_61 = arith.muli %scan3A_59, %mul3A_60 : i32
      %scan3A_62 = arith.constant 0 : i32
      %scan3A_63 = arith.constant 0 : i32
      %scan3A_64 = arith.constant 32 : i32
      %scan3A_65 = arith.addi %scan3A_63, %scan3A_64 : i32
      %scan3A_66 = arith.constant 1 : i32
      scf.for %scan3A_79 = %scan3A_63 to %scan3A_65 step %scan3A_66  : i32 {
        %mul3A_80 = arith.constant 16 : i32
        %mul3A_81 = arith.muli %scan3A_79, %mul3A_80 : i32
        %add3A_82 = arith.addi %mul3A_61, %mul3A_81 : i32
        %add3A_83 = vector.broadcast %add3A_82 : i32 to vector<16xi32>
        %add3A_84 = arith.addi %add3A_83, %iota3A : vector<16xi32>
        %add3A_85 = arith.constant 499 : i32
        %add3A_86 = arith.addi %mul3A_61, %add3A_85 : i32
        %min3A = vector.broadcast %add3A_86 : i32 to vector<16xi32>
        %min3A_87 = arith.minsi %add3A_84, %min3A : vector<16xi32>
        %mul3A_88 = arith.constant 8 : i32
        %mul3A_89 = vector.broadcast %mul3A_88 : i32 to vector<16xi32>
        %mul3A_90 = arith.muli %min3A_87, %mul3A_89 : vector<16xi32>
        %gather3A = tpu.vector_load_idx %arg6[%mul3A_90] : memref<40000xf32, #tpu.memory_space<vmem>>[vector<16xi32>], vector<16xf32>,
        %convert_element_type3A = arith.fptosi %gather3A : vector<16xf32> to vector<16xi32>
        %sub3A_91 = vector.broadcast %mul3A_61 : i32 to vector<16xi32>
        %sub3A_92 = arith.subi %min3A_87, %sub3A_91 : vector<16xi32>
        %mul3A_93 = arith.constant 80 : i32
        %mul3A_94 = vector.broadcast %mul3A_93 : i32 to vector<16xi32>
        %mul3A_95 = arith.muli %sub3A_92, %mul3A_94 : vector<16xi32>
        %min3A_96 = arith.constant 79 : i32
        %min3A_97 = vector.broadcast %min3A_96 : i32 to vector<16xi32>
        %min3A_98 = arith.minsi %convert_element_type3A, %min3A_97 : vector<16xi32>
        %add3A_99 = arith.addi %mul3A_95, %min3A_98 : vector<16xi32>
        %lt3A_100 = arith.constant 80 : i32
        %lt3A_101 = vector.broadcast %lt3A_100 : i32 to vector<16xi32>
        %lt3A_102 = arith.cmpi slt, %convert_element_type3A, %lt3A_101 : vector<16xi32>
        %jit3A_103 = arith.constant 1.000000e+00 : f32
        %jit3A_104 = arith.constant 0.000000e+00 : f32
        %broadcast_in_dim3A = vector.broadcast %jit3A_103 : f32 to vector<16xf32>
        %broadcast_in_dim3A_105 = vector.broadcast %jit3A_104 : f32 to vector<16xf32>
        %select_n3A_106 = arith.select %lt3A_102, %broadcast_in_dim3A, %broadcast_in_dim3A_105 : vector<16xi1>, vector<16xf32>
        tpu.vector_store_idx %arg7[%add3A_99], %select_n3A_106 : memref<40000xf32, #tpu.memory_space<vmem>>[vector<16xi32>], vector<16xf32>,
      }
      %scan3A_67 = arith.constant 32 : i32
      %mul3A_68 = arith.constant 5000 : i32
      %mul3A_69 = arith.muli %add3A, %mul3A_68 : i32
      %add3A_70 = arith.addi %mul3A_69, %mul3A_61 : i32
      %mul3A_71 = arith.constant 80 : i32
      %mul3A_72 = arith.muli %add3A_70, %mul3A_71 : i32
      "tpu.region"() ({
        %run_scoped3A = tpu.sem_alloc : memref<!tpu.dma_semaphore, #tpu.memory_space<semaphore_mem>>
        %dma_start3A = tpu.memref_slice %arg3[%mul3A_72] : memref<12800000xf32, #tpu.memory_space<hbm>> -> memref<40000xf32, #tpu.memory_space<hbm>>
        %dma_start3A_79 = tpu.memref_slice %arg3[%mul3A_72] : memref<12800000xf32, #tpu.memory_space<hbm>> -> memref<40000xf32, #tpu.memory_space<hbm>>
        tpu.enqueue_dma source(%arg7 : memref<40000xf32, #tpu.memory_space<vmem>>) target(%dma_start3A_79 : memref<40000xf32, #tpu.memory_space<hbm>>) target_semaphore(%run_scoped3A : memref<!tpu.dma_semaphore, #tpu.memory_space<semaphore_mem>>)
        %dma_wait3A = tpu.memref_slice %arg3[%mul3A_72] : memref<12800000xf32, #tpu.memory_space<hbm>> -> memref<40000xf32, #tpu.memory_space<hbm>>
        %dma_wait3A_80 = tpu.memref_slice %arg3[%mul3A_72] : memref<12800000xf32, #tpu.memory_space<hbm>> -> memref<40000xf32, #tpu.memory_space<hbm>>
        tpu.wait_dma2 semaphore(%run_scoped3A : memref<!tpu.dma_semaphore, #tpu.memory_space<semaphore_mem>>) src(%arg7 : memref<40000xf32, #tpu.memory_space<vmem>>) dst(%dma_wait3A_80 : memref<40000xf32, #tpu.memory_space<hbm>>)
        tpu.yield
      }) : () -> ()
      %scan3A_73 = arith.constant 0 : i32
      %scan3A_74 = arith.constant 0 : i32
      %scan3A_75 = arith.constant 32 : i32
      %scan3A_76 = arith.addi %scan3A_74, %scan3A_75 : i32
      %scan3A_77 = arith.constant 1 : i32
      scf.for %scan3A_79 = %scan3A_74 to %scan3A_76 step %scan3A_77  : i32 {
        %mul3A_80 = arith.constant 16 : i32
        %mul3A_81 = arith.muli %scan3A_79, %mul3A_80 : i32
        %add3A_82 = arith.addi %mul3A_61, %mul3A_81 : i32
        %add3A_83 = vector.broadcast %add3A_82 : i32 to vector<16xi32>
        %add3A_84 = arith.addi %add3A_83, %iota3A : vector<16xi32>
        %add3A_85 = arith.constant 499 : i32
        %add3A_86 = arith.addi %mul3A_61, %add3A_85 : i32
        %min3A = vector.broadcast %add3A_86 : i32 to vector<16xi32>
        %min3A_87 = arith.minsi %add3A_84, %min3A : vector<16xi32>
        %mul3A_88 = arith.constant 8 : i32
        %mul3A_89 = vector.broadcast %mul3A_88 : i32 to vector<16xi32>
        %mul3A_90 = arith.muli %min3A_87, %mul3A_89 : vector<16xi32>
        %gather3A = tpu.vector_load_idx %arg6[%mul3A_90] : memref<40000xf32, #tpu.memory_space<vmem>>[vector<16xi32>], vector<16xf32>,
        %convert_element_type3A = arith.fptosi %gather3A : vector<16xf32> to vector<16xi32>
        %sub3A_91 = vector.broadcast %mul3A_61 : i32 to vector<16xi32>
        %sub3A_92 = arith.subi %min3A_87, %sub3A_91 : vector<16xi32>
        %mul3A_93 = arith.constant 80 : i32
        %mul3A_94 = vector.broadcast %mul3A_93 : i32 to vector<16xi32>
        %mul3A_95 = arith.muli %sub3A_92, %mul3A_94 : vector<16xi32>
        %min3A_96 = arith.constant 79 : i32
        %min3A_97 = vector.broadcast %min3A_96 : i32 to vector<16xi32>
        %min3A_98 = arith.minsi %convert_element_type3A, %min3A_97 : vector<16xi32>
        %add3A_99 = arith.addi %mul3A_95, %min3A_98 : vector<16xi32>
        %broadcast_in_dim3A = arith.constant 0.000000e+00 : f32
        %broadcast_in_dim3A_100 = vector.broadcast %broadcast_in_dim3A : f32 to vector<16xf32>
        tpu.vector_store_idx %arg7[%add3A_99], %broadcast_in_dim3A_100 : memref<40000xf32, #tpu.memory_space<vmem>>[vector<16xi32>], vector<16xf32>,
      }
      %scan3A_78 = arith.constant 32 : i32
    }
    %scan3A_58 = arith.constant 10 : i32
    return
  }
}

module attributes {stable_mosaic.version = 14 : i64} {
  func.func @_assign_kernel(%arg0: i32, %arg1: i32, %arg2: memref<1x64x6xf32, #tpu.memory_space<vmem>>, %arg3: memref<1x1x4096xf32, #tpu.memory_space<vmem>>, %arg4: memref<1x1x4096xf32, #tpu.memory_space<vmem>>, %arg5: memref<1x1x4096xf32, #tpu.memory_space<vmem>>, %arg6: memref<1x1x4096xf32, #tpu.memory_space<vmem>>, %arg7: memref<1x1x4096xf32, #tpu.memory_space<vmem>>, %arg8: memref<1x1x4096xf32, #tpu.memory_space<vmem>>, %arg9: memref<1x1x4096xf32, #tpu.memory_space<vmem>>, %arg10: memref<1x1x4096xf32, #tpu.memory_space<vmem>>, %arg11: memref<1x64x1xi32, #tpu.memory_space<vmem>>, %arg12: memref<1x4096x8xf32, #tpu.memory_space<vmem>>) attributes {dimension_semantics = [#tpu.dimension_semantics<arbitrary>, #tpu.dimension_semantics<arbitrary>], iteration_bounds = array<i64: 8, 5>, scalar_prefetch = 0 : i64, scratch_operands = 0 : i64, tpu.core_type = #tpu.core_type<tc>, window_params = [{transform_indices = @transform_0, window_bounds = array<i64: 1, 64, 6>}, {transform_indices = @transform_1, window_bounds = array<i64: 1, 1, 4096>}, {transform_indices = @transform_2, window_bounds = array<i64: 1, 1, 4096>}, {transform_indices = @transform_3, window_bounds = array<i64: 1, 1, 4096>}, {transform_indices = @transform_4, window_bounds = array<i64: 1, 1, 4096>}, {transform_indices = @transform_5, window_bounds = array<i64: 1, 1, 4096>}, {transform_indices = @transform_6, window_bounds = array<i64: 1, 1, 4096>}, {transform_indices = @transform_7, window_bounds = array<i64: 1, 1, 4096>}, {transform_indices = @transform_8, window_bounds = array<i64: 1, 1, 4096>}, {transform_indices = @transform_9, window_bounds = array<i64: 1, 64, 1>}, {transform_indices = @transform_10, window_bounds = array<i64: 1, 4096, 8>}]} {
    %get3A = arith.constant 0 : index
    %get3A_0 = arith.constant 0 : index
    %get3A_1 = arith.constant 0 : index
    %get3A_2 = vector.load %arg2[%get3A, %get3A_0, %get3A_1] : memref<1x64x6xf32, #tpu.memory_space<vmem>>, vector<1x64x6xf32>
    %get3A_3 = vector.shape_cast %get3A_2 : vector<1x64x6xf32> to vector<64x6xf32>
    %slice3A = vector.extract_strided_slice %get3A_3 {offsets = [0, 0], sizes = [64, 1], strides = [1, 1]} : vector<64x6xf32> to vector<64x1xf32>
    %slice3A_4 = vector.extract_strided_slice %get3A_3 {offsets = [0, 1], sizes = [64, 1], strides = [1, 1]} : vector<64x6xf32> to vector<64x1xf32>
    %slice3A_5 = vector.extract_strided_slice %get3A_3 {offsets = [0, 2], sizes = [64, 1], strides = [1, 1]} : vector<64x6xf32> to vector<64x1xf32>
    %slice3A_6 = vector.extract_strided_slice %get3A_3 {offsets = [0, 3], sizes = [64, 1], strides = [1, 1]} : vector<64x6xf32> to vector<64x1xf32>
    %slice3A_7 = vector.extract_strided_slice %get3A_3 {offsets = [0, 4], sizes = [64, 1], strides = [1, 1]} : vector<64x6xf32> to vector<64x1xf32>
    %slice3A_8 = vector.extract_strided_slice %get3A_3 {offsets = [0, 5], sizes = [64, 1], strides = [1, 1]} : vector<64x6xf32> to vector<64x1xf32>
    %get3A_9 = arith.constant 0 : index
    %get3A_10 = arith.constant 0 : index
    %get3A_11 = arith.constant 0 : index
    %get3A_12 = vector.load %arg3[%get3A_9, %get3A_10, %get3A_11] : memref<1x1x4096xf32, #tpu.memory_space<vmem>>, vector<1x1x4096xf32>
    %get3A_13 = vector.shape_cast %get3A_12 : vector<1x1x4096xf32> to vector<1x4096xf32>
    %get3A_14 = arith.constant 0 : index
    %get3A_15 = arith.constant 0 : index
    %get3A_16 = arith.constant 0 : index
    %get3A_17 = vector.load %arg4[%get3A_14, %get3A_15, %get3A_16] : memref<1x1x4096xf32, #tpu.memory_space<vmem>>, vector<1x1x4096xf32>
    %get3A_18 = vector.shape_cast %get3A_17 : vector<1x1x4096xf32> to vector<1x4096xf32>
    %get3A_19 = arith.constant 0 : index
    %get3A_20 = arith.constant 0 : index
    %get3A_21 = arith.constant 0 : index
    %get3A_22 = vector.load %arg5[%get3A_19, %get3A_20, %get3A_21] : memref<1x1x4096xf32, #tpu.memory_space<vmem>>, vector<1x1x4096xf32>
    %get3A_23 = vector.shape_cast %get3A_22 : vector<1x1x4096xf32> to vector<1x4096xf32>
    %get3A_24 = arith.constant 0 : index
    %get3A_25 = arith.constant 0 : index
    %get3A_26 = arith.constant 0 : index
    %get3A_27 = vector.load %arg6[%get3A_24, %get3A_25, %get3A_26] : memref<1x1x4096xf32, #tpu.memory_space<vmem>>, vector<1x1x4096xf32>
    %get3A_28 = vector.shape_cast %get3A_27 : vector<1x1x4096xf32> to vector<1x4096xf32>
    %div3A = arith.constant 2.000000e+00 : f32
    %div3A_29 = vector.broadcast %div3A : f32 to vector<64x1xf32>
    %div3A_30 = arith.divf %slice3A_5, %div3A_29 : vector<64x1xf32>
    %sub3A = arith.subf %slice3A, %div3A_30 : vector<64x1xf32>
    %div3A_31 = arith.constant 2.000000e+00 : f32
    %div3A_32 = vector.broadcast %div3A_31 : f32 to vector<64x1xf32>
    %div3A_33 = arith.divf %slice3A_6, %div3A_32 : vector<64x1xf32>
    %sub3A_34 = arith.subf %slice3A_4, %div3A_33 : vector<64x1xf32>
    %div3A_35 = arith.constant 2.000000e+00 : f32
    %div3A_36 = vector.broadcast %div3A_35 : f32 to vector<64x1xf32>
    %div3A_37 = arith.divf %slice3A_5, %div3A_36 : vector<64x1xf32>
    %add3A = arith.addf %slice3A, %div3A_37 : vector<64x1xf32>
    %div3A_38 = arith.constant 2.000000e+00 : f32
    %div3A_39 = vector.broadcast %div3A_38 : f32 to vector<64x1xf32>
    %div3A_40 = arith.divf %slice3A_6, %div3A_39 : vector<64x1xf32>
    %add3A_41 = arith.addf %slice3A_4, %div3A_40 : vector<64x1xf32>
    %div3A_42 = arith.constant 2.000000e+00 : f32
    %div3A_43 = vector.broadcast %div3A_42 : f32 to vector<1x4096xf32>
    %div3A_44 = arith.divf %get3A_23, %div3A_43 : vector<1x4096xf32>
    %sub3A_45 = arith.subf %get3A_13, %div3A_44 : vector<1x4096xf32>
    %div3A_46 = arith.constant 2.000000e+00 : f32
    %div3A_47 = vector.broadcast %div3A_46 : f32 to vector<1x4096xf32>
    %div3A_48 = arith.divf %get3A_28, %div3A_47 : vector<1x4096xf32>
    %sub3A_49 = arith.subf %get3A_18, %div3A_48 : vector<1x4096xf32>
    %div3A_50 = arith.constant 2.000000e+00 : f32
    %div3A_51 = vector.broadcast %div3A_50 : f32 to vector<1x4096xf32>
    %div3A_52 = arith.divf %get3A_23, %div3A_51 : vector<1x4096xf32>
    %add3A_53 = arith.addf %get3A_13, %div3A_52 : vector<1x4096xf32>
    %div3A_54 = arith.constant 2.000000e+00 : f32
    %div3A_55 = vector.broadcast %div3A_54 : f32 to vector<1x4096xf32>
    %div3A_56 = arith.divf %get3A_28, %div3A_55 : vector<1x4096xf32>
    %add3A_57 = arith.addf %get3A_18, %div3A_56 : vector<1x4096xf32>
    %max3A = vector.broadcast %sub3A_34 : vector<64x1xf32> to vector<64x4096xf32>
    %max3A_58 = vector.broadcast %sub3A_49 : vector<1x4096xf32> to vector<64x4096xf32>
    %max3A_59 = arith.maximumf %max3A, %max3A_58 : vector<64x4096xf32>
    %max3A_60 = vector.broadcast %sub3A : vector<64x1xf32> to vector<64x4096xf32>
    %max3A_61 = vector.broadcast %sub3A_45 : vector<1x4096xf32> to vector<64x4096xf32>
    %max3A_62 = arith.maximumf %max3A_60, %max3A_61 : vector<64x4096xf32>
    %min3A = vector.broadcast %add3A_41 : vector<64x1xf32> to vector<64x4096xf32>
    %min3A_63 = vector.broadcast %add3A_57 : vector<1x4096xf32> to vector<64x4096xf32>
    %min3A_64 = arith.minimumf %min3A, %min3A_63 : vector<64x4096xf32>
    %min3A_65 = vector.broadcast %add3A : vector<64x1xf32> to vector<64x4096xf32>
    %min3A_66 = vector.broadcast %add3A_53 : vector<1x4096xf32> to vector<64x4096xf32>
    %min3A_67 = arith.minimumf %min3A_65, %min3A_66 : vector<64x4096xf32>
    %sub3A_68 = arith.subf %min3A_67, %max3A_62 : vector<64x4096xf32>
    %max3A_69 = arith.constant 0.000000e+00 : f32
    %max3A_70 = vector.broadcast %max3A_69 : f32 to vector<64x4096xf32>
    %max3A_71 = arith.maximumf %max3A_70, %sub3A_68 : vector<64x4096xf32>
    %sub3A_72 = arith.subf %min3A_64, %max3A_59 : vector<64x4096xf32>
    %max3A_73 = arith.constant 0.000000e+00 : f32
    %max3A_74 = vector.broadcast %max3A_73 : f32 to vector<64x4096xf32>
    %max3A_75 = arith.maximumf %max3A_74, %sub3A_72 : vector<64x4096xf32>
    %mul3A = arith.mulf %max3A_71, %max3A_75 : vector<64x4096xf32>
    %mul3A_76 = arith.mulf %get3A_23, %get3A_28 : vector<1x4096xf32>
    %add3A_77 = arith.constant 9.99999974E-6 : f32
    %add3A_78 = vector.broadcast %add3A_77 : f32 to vector<1x4096xf32>
    %add3A_79 = arith.addf %mul3A_76, %add3A_78 : vector<1x4096xf32>
    %mul3A_80 = arith.mulf %slice3A_5, %slice3A_6 : vector<64x1xf32>
    %add3A_81 = vector.broadcast %mul3A_80 : vector<64x1xf32> to vector<64x4096xf32>
    %add3A_82 = vector.broadcast %add3A_79 : vector<1x4096xf32> to vector<64x4096xf32>
    %add3A_83 = arith.addf %add3A_81, %add3A_82 : vector<64x4096xf32>
    %sub3A_84 = arith.subf %add3A_83, %mul3A : vector<64x4096xf32>
    %add3A_85 = arith.addf %mul3A, %mul3A : vector<64x4096xf32>
    %ge3A = arith.cmpf oge, %add3A_85, %sub3A_84 : vector<64x4096xf32>
    %mul3A_86 = arith.constant 2.500000e+00 : f32
    %mul3A_87 = vector.broadcast %mul3A_86 : f32 to vector<64x4096xf32>
    %mul3A_88 = arith.mulf %mul3A_87, %mul3A : vector<64x4096xf32>
    %ge3A_89 = arith.cmpf oge, %mul3A_88, %sub3A_84 : vector<64x4096xf32>
    %not3A = arith.constant dense<true> : vector<64x4096xi1>
    %not3A_90 = arith.xori %ge3A, %not3A : vector<64x4096xi1>
    %and3A = arith.andi %ge3A_89, %not3A_90 : vector<64x4096xi1>
    %iota3A = tpu.iota {dimensions = array<i32: 1>} : vector<1x4096xi32>
    %mul3A_91 = arith.constant 4096 : i32
    %mul3A_92 = arith.muli %arg1, %mul3A_91 : i32
    %add3A_93 = vector.broadcast %mul3A_92 : i32 to vector<1x4096xi32>
    %add3A_94 = arith.addi %iota3A, %add3A_93 : vector<1x4096xi32>
    %get3A_95 = arith.constant 0 : index
    %get3A_96 = arith.constant 0 : index
    %get3A_97 = arith.constant 0 : index
    %get3A_98 = vector.load %arg11[%get3A_95, %get3A_96, %get3A_97] : memref<1x64x1xi32, #tpu.memory_space<vmem>>, vector<1x64x1xi32>
    %get3A_99 = vector.shape_cast %get3A_98 : vector<1x64x1xi32> to vector<64x1xi32>
    %gt3A = arith.constant 0.000000e+00 : f32
    %gt3A_100 = vector.broadcast %gt3A : f32 to vector<64x1xf32>
    %gt3A_101 = arith.cmpf ogt, %slice3A_8, %gt3A_100 : vector<64x1xf32>
    %jit3A = arith.constant -7 : i32
    %broadcast_in_dim3A = vector.broadcast %jit3A : i32 to vector<64x1xi32>
    %select_n3A = arith.select %gt3A_101, %get3A_99, %broadcast_in_dim3A : vector<64x1xi1>, vector<64x1xi32>
    %eq3A = vector.broadcast %add3A_94 : vector<1x4096xi32> to vector<64x4096xi32>
    %eq3A_102 = vector.broadcast %select_n3A : vector<64x1xi32> to vector<64x4096xi32>
    %eq3A_103 = arith.cmpi eq, %eq3A, %eq3A_102 : vector<64x4096xi32>
    %iota3A_104 = tpu.iota {dimensions = array<i32: 0>} : vector<64x1xi32>
    %convert_element_type3A = arith.fptosi %slice3A_7 : vector<64x1xf32> to vector<64x1xi32>
    %mul3A_105 = arith.constant 128 : i32
    %mul3A_106 = vector.broadcast %mul3A_105 : i32 to vector<64x1xi32>
    %mul3A_107 = arith.muli %iota3A_104, %mul3A_106 : vector<64x1xi32>
    %add3A_108 = arith.addi %mul3A_107, %convert_element_type3A : vector<64x1xi32>
    %add3A_109 = arith.constant 8192 : i32
    %add3A_110 = vector.broadcast %add3A_109 : i32 to vector<64x1xi32>
    %add3A_111 = arith.addi %add3A_108, %add3A_110 : vector<64x1xi32>
    %jit3A_112 = arith.constant -1 : i32
    %broadcast_in_dim3A_113 = vector.shape_cast %add3A_108 : vector<64x1xi32> to vector<64x1xi32>
    %broadcast_in_dim3A_114 = vector.broadcast %broadcast_in_dim3A_113 : vector<64x1xi32> to vector<64x4096xi32>
    %broadcast_in_dim3A_115 = vector.broadcast %jit3A_112 : i32 to vector<64x4096xi32>
    %select_n3A_116 = arith.select %ge3A, %broadcast_in_dim3A_114, %broadcast_in_dim3A_115 : vector<64x4096xi1>, vector<64x4096xi32>
    %broadcast_in_dim3A_117 = vector.shape_cast %add3A_111 : vector<64x1xi32> to vector<64x1xi32>
    %broadcast_in_dim3A_118 = vector.broadcast %broadcast_in_dim3A_117 : vector<64x1xi32> to vector<64x4096xi32>
    %select_n3A_119 = arith.select %eq3A_103, %broadcast_in_dim3A_118, %select_n3A_116 : vector<64x4096xi1>, vector<64x4096xi32>
    %reduce_max3A = arith.constant dense<-2147483648> : vector<4096xi32>
    %reduce_max3A_120 = vector.multi_reduction <maxsi>, %select_n3A_119, %reduce_max3A [0] : vector<64x4096xi32> to vector<4096xi32>
    %broadcast_in_dim3A_121 = vector.shape_cast %reduce_max3A_120 : vector<4096xi32> to vector<1x4096xi32>
    %ge3A_122 = arith.constant 0 : i32
    %ge3A_123 = vector.broadcast %ge3A_122 : i32 to vector<1x4096xi32>
    %ge3A_124 = arith.cmpi sge, %broadcast_in_dim3A_121, %ge3A_123 : vector<1x4096xi32>
    %and3A_125 = arith.constant 127 : i32
    %and3A_126 = vector.broadcast %and3A_125 : i32 to vector<1x4096xi32>
    %and3A_127 = arith.andi %broadcast_in_dim3A_121, %and3A_126 : vector<1x4096xi32>
    %jit3A_128 = arith.constant 80 : i32
    %broadcast_in_dim3A_129 = vector.broadcast %jit3A_128 : i32 to vector<1x4096xi32>
    %select_n3A_130 = arith.select %ge3A_124, %and3A_127, %broadcast_in_dim3A_129 : vector<1x4096xi1>, vector<1x4096xi32>
    %convert_element_type3A_131 = arith.sitofp %select_n3A_130 : vector<1x4096xi32> to vector<1x4096xf32>
    %convert_element_type3A_132 = arith.extui %ge3A : vector<64x4096xi1> to vector<64x4096xi32>
    %convert_element_type3A_133 = arith.sitofp %convert_element_type3A_132 : vector<64x4096xi32> to vector<64x4096xf32>
    %convert_element_type3A_134 = arith.extui %eq3A_103 : vector<64x4096xi1> to vector<64x4096xi32>
    %convert_element_type3A_135 = arith.sitofp %convert_element_type3A_134 : vector<64x4096xi32> to vector<64x4096xf32>
    %add3A_136 = arith.addf %convert_element_type3A_133, %convert_element_type3A_135 : vector<64x4096xf32>
    %gt3A_137 = arith.constant 0.000000e+00 : f32
    %gt3A_138 = vector.broadcast %gt3A_137 : f32 to vector<64x1xf32>
    %gt3A_139 = arith.cmpf ogt, %slice3A_5, %gt3A_138 : vector<64x1xf32>
    %jit3A_140 = arith.constant 1.000000e+00 : f32
    %broadcast_in_dim3A_141 = vector.broadcast %jit3A_140 : f32 to vector<64x1xf32>
    %select_n3A_142 = arith.select %gt3A_139, %slice3A_5, %broadcast_in_dim3A_141 : vector<64x1xi1>, vector<64x1xf32>
    %log3A = math.log %select_n3A_142 : vector<64x1xf32>
    %gt3A_143 = arith.constant 0.000000e+00 : f32
    %gt3A_144 = vector.broadcast %gt3A_143 : f32 to vector<64x1xf32>
    %gt3A_145 = arith.cmpf ogt, %slice3A_6, %gt3A_144 : vector<64x1xf32>
    %jit3A_146 = arith.constant 1.000000e+00 : f32
    %broadcast_in_dim3A_147 = vector.broadcast %jit3A_146 : f32 to vector<64x1xf32>
    %select_n3A_148 = arith.select %gt3A_145, %slice3A_6, %broadcast_in_dim3A_147 : vector<64x1xi1>, vector<64x1xf32>
    %log3A_149 = math.log %select_n3A_148 : vector<64x1xf32>
    %broadcast_in_dim3A_150 = arith.constant 1.000000e+00 : f32
    %broadcast_in_dim3A_151 = vector.broadcast %broadcast_in_dim3A_150 : f32 to vector<64x1xf32>
    %concatenate3A = tpu.concatenate %broadcast_in_dim3A_151, %slice3A, %slice3A_4, %log3A, %log3A_149 in 1 : vector<64x1xf32>, vector<64x1xf32>, vector<64x1xf32>, vector<64x1xf32>, vector<64x1xf32> -> vector<64x5xf32>
    %transpose3A = tpu.transpose %concatenate3A, [1, 0] : vector<64x5xf32> -> vector<5x64xf32>
    %dot_general3A = arith.constant dense<0.000000e+00> : vector<5x4096xf32>
    %dot_general3A_152 = tpu.matmul %transpose3A, %add3A_136, %dot_general3A {dimension_numbers = #tpu.dot_dimension_numbers<[1], [0], [0], [1], [0, 0, 1, 1], [], []>, precision = #tpu.contract_precision<fp32>, transpose_lhs_hint = false} : vector<5x64xf32>, vector<64x4096xf32>, vector<5x4096xf32> -> vector<5x4096xf32>
    %slice3A_153 = vector.extract_strided_slice %dot_general3A_152 {offsets = [0, 0], sizes = [1, 4096], strides = [1, 1]} : vector<5x4096xf32> to vector<1x4096xf32>
    %slice3A_154 = vector.extract_strided_slice %dot_general3A_152 {offsets = [1, 0], sizes = [1, 4096], strides = [1, 1]} : vector<5x4096xf32> to vector<1x4096xf32>
    %slice3A_155 = vector.extract_strided_slice %dot_general3A_152 {offsets = [2, 0], sizes = [1, 4096], strides = [1, 1]} : vector<5x4096xf32> to vector<1x4096xf32>
    %slice3A_156 = vector.extract_strided_slice %dot_general3A_152 {offsets = [3, 0], sizes = [1, 4096], strides = [1, 1]} : vector<5x4096xf32> to vector<1x4096xf32>
    %slice3A_157 = vector.extract_strided_slice %dot_general3A_152 {offsets = [4, 0], sizes = [1, 4096], strides = [1, 1]} : vector<5x4096xf32> to vector<1x4096xf32>
    %get3A_158 = arith.constant 0 : index
    %get3A_159 = arith.constant 0 : index
    %get3A_160 = arith.constant 0 : index
    %get3A_161 = vector.load %arg7[%get3A_158, %get3A_159, %get3A_160] : memref<1x1x4096xf32, #tpu.memory_space<vmem>>, vector<1x1x4096xf32>
    %get3A_162 = vector.shape_cast %get3A_161 : vector<1x1x4096xf32> to vector<1x4096xf32>
    %get3A_163 = arith.constant 0 : index
    %get3A_164 = arith.constant 0 : index
    %get3A_165 = arith.constant 0 : index
    %get3A_166 = vector.load %arg8[%get3A_163, %get3A_164, %get3A_165] : memref<1x1x4096xf32, #tpu.memory_space<vmem>>, vector<1x1x4096xf32>
    %get3A_167 = vector.shape_cast %get3A_166 : vector<1x1x4096xf32> to vector<1x4096xf32>
    %get3A_168 = arith.constant 0 : index
    %get3A_169 = arith.constant 0 : index
    %get3A_170 = arith.constant 0 : index
    %get3A_171 = vector.load %arg9[%get3A_168, %get3A_169, %get3A_170] : memref<1x1x4096xf32, #tpu.memory_space<vmem>>, vector<1x1x4096xf32>
    %get3A_172 = vector.shape_cast %get3A_171 : vector<1x1x4096xf32> to vector<1x4096xf32>
    %get3A_173 = arith.constant 0 : index
    %get3A_174 = arith.constant 0 : index
    %get3A_175 = arith.constant 0 : index
    %get3A_176 = vector.load %arg10[%get3A_173, %get3A_174, %get3A_175] : memref<1x1x4096xf32, #tpu.memory_space<vmem>>, vector<1x1x4096xf32>
    %get3A_177 = vector.shape_cast %get3A_176 : vector<1x1x4096xf32> to vector<1x4096xf32>
    %mul3A_178 = arith.mulf %get3A_162, %slice3A_153 : vector<1x4096xf32>
    %sub3A_179 = arith.subf %slice3A_154, %mul3A_178 : vector<1x4096xf32>
    %div3A_180 = arith.divf %sub3A_179, %get3A_172 : vector<1x4096xf32>
    %mul3A_181 = arith.mulf %get3A_167, %slice3A_153 : vector<1x4096xf32>
    %sub3A_182 = arith.subf %slice3A_155, %mul3A_181 : vector<1x4096xf32>
    %div3A_183 = arith.divf %sub3A_182, %get3A_177 : vector<1x4096xf32>
    %log3A_184 = math.log %get3A_172 : vector<1x4096xf32>
    %mul3A_185 = arith.mulf %slice3A_153, %log3A_184 : vector<1x4096xf32>
    %sub3A_186 = arith.subf %slice3A_156, %mul3A_185 : vector<1x4096xf32>
    %log3A_187 = math.log %get3A_177 : vector<1x4096xf32>
    %mul3A_188 = arith.mulf %slice3A_153, %log3A_187 : vector<1x4096xf32>
    %sub3A_189 = arith.subf %slice3A_157, %mul3A_188 : vector<1x4096xf32>
    %not3A_190 = arith.constant dense<true> : vector<1x4096xi1>
    %not3A_191 = arith.xori %ge3A_124, %not3A_190 : vector<1x4096xi1>
    %convert_element_type3A_192 = arith.extui %not3A_191 : vector<1x4096xi1> to vector<1x4096xi32>
    %convert_element_type3A_193 = arith.sitofp %convert_element_type3A_192 : vector<1x4096xi32> to vector<1x4096xf32>
    %convert_element_type3A_194 = arith.extui %and3A : vector<64x4096xi1> to vector<64x4096xi32>
    %reduce_max3A_195 = arith.constant dense<-2147483648> : vector<4096xi32>
    %reduce_max3A_196 = vector.multi_reduction <maxsi>, %convert_element_type3A_194, %reduce_max3A_195 [0] : vector<64x4096xi32> to vector<4096xi32>
    %broadcast_in_dim3A_197 = vector.shape_cast %reduce_max3A_196 : vector<4096xi32> to vector<1x4096xi32>
    %gt3A_198 = arith.constant 0 : i32
    %gt3A_199 = vector.broadcast %gt3A_198 : i32 to vector<1x4096xi32>
    %gt3A_200 = arith.cmpi sgt, %broadcast_in_dim3A_197, %gt3A_199 : vector<1x4096xi32>
    %jit3A_201 = arith.constant -1.000000e+00 : f32
    %broadcast_in_dim3A_202 = vector.broadcast %jit3A_201 : f32 to vector<1x4096xf32>
    %select_n3A_203 = arith.select %gt3A_200, %broadcast_in_dim3A_202, %convert_element_type3A_193 : vector<1x4096xi1>, vector<1x4096xf32>
    %broadcast_in_dim3A_204 = arith.constant 0.000000e+00 : f32
    %broadcast_in_dim3A_205 = vector.broadcast %broadcast_in_dim3A_204 : f32 to vector<2x4096xf32>
    %concatenate3A_206 = tpu.concatenate %convert_element_type3A_131, %div3A_180, %div3A_183, %sub3A_186, %sub3A_189, %select_n3A_203, %broadcast_in_dim3A_205 in 0 : vector<1x4096xf32>, vector<1x4096xf32>, vector<1x4096xf32>, vector<1x4096xf32>, vector<1x4096xf32>, vector<1x4096xf32>, vector<2x4096xf32> -> vector<8x4096xf32>
    %transpose3A_207 = tpu.transpose %concatenate3A_206, [1, 0] : vector<8x4096xf32> -> vector<4096x8xf32>
    %swap3A = arith.constant 0 : index
    %swap3A_208 = arith.constant 0 : index
    %swap3A_209 = arith.constant 0 : index
    %swap3A_210 = vector.load %arg12[%swap3A, %swap3A_208, %swap3A_209] : memref<1x4096x8xf32, #tpu.memory_space<vmem>>, vector<1x4096x8xf32>
    %swap3A_211 = vector.shape_cast %swap3A_210 : vector<1x4096x8xf32> to vector<4096x8xf32>
    %swap3A_212 = vector.shape_cast %transpose3A_207 : vector<4096x8xf32> to vector<1x4096x8xf32>
    tpu.vector_store %arg12[%swap3A, %swap3A_208, %swap3A_209], %swap3A_212 {strides = array<i32>} : memref<1x4096x8xf32, #tpu.memory_space<vmem>>, vector<1x4096x8xf32>,
    return
  }
  func.func @transform_0(%arg0: i32, %arg1: i32) -> (i32, i32, i32) {
    %c0_i32 = arith.constant 0 : i32
    %c0_i32_0 = arith.constant 0 : i32
    %c0_i32_1 = arith.constant 0 : i32
    return %arg0, %c0_i32, %c0_i32_0 : i32, i32, i32
  }
  func.func @transform_1(%arg0: i32, %arg1: i32) -> (i32, i32, i32) {
    %c0_i32 = arith.constant 0 : i32
    %c0_i32_0 = arith.constant 0 : i32
    %c0_i32_1 = arith.constant 0 : i32
    return %c0_i32, %c0_i32_0, %arg1 : i32, i32, i32
  }
  func.func @transform_2(%arg0: i32, %arg1: i32) -> (i32, i32, i32) {
    %c0_i32 = arith.constant 0 : i32
    %c0_i32_0 = arith.constant 0 : i32
    %c0_i32_1 = arith.constant 0 : i32
    return %c0_i32, %c0_i32_0, %arg1 : i32, i32, i32
  }
  func.func @transform_3(%arg0: i32, %arg1: i32) -> (i32, i32, i32) {
    %c0_i32 = arith.constant 0 : i32
    %c0_i32_0 = arith.constant 0 : i32
    %c0_i32_1 = arith.constant 0 : i32
    return %c0_i32, %c0_i32_0, %arg1 : i32, i32, i32
  }
  func.func @transform_4(%arg0: i32, %arg1: i32) -> (i32, i32, i32) {
    %c0_i32 = arith.constant 0 : i32
    %c0_i32_0 = arith.constant 0 : i32
    %c0_i32_1 = arith.constant 0 : i32
    return %c0_i32, %c0_i32_0, %arg1 : i32, i32, i32
  }
  func.func @transform_5(%arg0: i32, %arg1: i32) -> (i32, i32, i32) {
    %c0_i32 = arith.constant 0 : i32
    %c0_i32_0 = arith.constant 0 : i32
    return %arg0, %c0_i32, %arg1 : i32, i32, i32
  }
  func.func @transform_6(%arg0: i32, %arg1: i32) -> (i32, i32, i32) {
    %c0_i32 = arith.constant 0 : i32
    %c0_i32_0 = arith.constant 0 : i32
    return %arg0, %c0_i32, %arg1 : i32, i32, i32
  }
  func.func @transform_7(%arg0: i32, %arg1: i32) -> (i32, i32, i32) {
    %c0_i32 = arith.constant 0 : i32
    %c0_i32_0 = arith.constant 0 : i32
    return %arg0, %c0_i32, %arg1 : i32, i32, i32
  }
  func.func @transform_8(%arg0: i32, %arg1: i32) -> (i32, i32, i32) {
    %c0_i32 = arith.constant 0 : i32
    %c0_i32_0 = arith.constant 0 : i32
    return %arg0, %c0_i32, %arg1 : i32, i32, i32
  }
  func.func @transform_9(%arg0: i32, %arg1: i32) -> (i32, i32, i32) {
    %c0_i32 = arith.constant 0 : i32
    %c0_i32_0 = arith.constant 0 : i32
    %c0_i32_1 = arith.constant 0 : i32
    return %arg0, %c0_i32, %c0_i32_0 : i32, i32, i32
  }
  func.func @transform_10(%arg0: i32, %arg1: i32) -> (i32, i32, i32) {
    %c0_i32 = arith.constant 0 : i32
    %c0_i32_0 = arith.constant 0 : i32
    return %arg0, %arg1, %c0_i32 : i32, i32, i32
  }
}

module attributes {stable_mosaic.version = 14 : i64} {
  func.func @_argmax_kernel(%arg0: i32, %arg1: memref<1x64x6xf32, #tpu.memory_space<vmem>>, %arg2: memref<1x1x20480xf32, #tpu.memory_space<vmem>>, %arg3: memref<1x1x20480xf32, #tpu.memory_space<vmem>>, %arg4: memref<1x1x20480xf32, #tpu.memory_space<vmem>>, %arg5: memref<1x1x20480xf32, #tpu.memory_space<vmem>>, %arg6: memref<1x64x1xi32, #tpu.memory_space<vmem>>) attributes {dimension_semantics = [#tpu.dimension_semantics<arbitrary>], iteration_bounds = array<i64: 8>, scalar_prefetch = 0 : i64, scratch_operands = 0 : i64, tpu.core_type = #tpu.core_type<tc>, window_params = [{transform_indices = @transform_0, window_bounds = array<i64: 1, 64, 6>}, {transform_indices = @transform_1, window_bounds = array<i64: 1, 1, 20480>}, {transform_indices = @transform_2, window_bounds = array<i64: 1, 1, 20480>}, {transform_indices = @transform_3, window_bounds = array<i64: 1, 1, 20480>}, {transform_indices = @transform_4, window_bounds = array<i64: 1, 1, 20480>}, {transform_indices = @transform_5, window_bounds = array<i64: 1, 64, 1>}]} {
    %get3A = arith.constant 0 : index
    %get3A_0 = arith.constant 0 : index
    %get3A_1 = arith.constant 0 : index
    %get3A_2 = vector.load %arg1[%get3A, %get3A_0, %get3A_1] : memref<1x64x6xf32, #tpu.memory_space<vmem>>, vector<1x64x6xf32>
    %get3A_3 = vector.shape_cast %get3A_2 : vector<1x64x6xf32> to vector<64x6xf32>
    %slice3A = vector.extract_strided_slice %get3A_3 {offsets = [0, 0], sizes = [64, 1], strides = [1, 1]} : vector<64x6xf32> to vector<64x1xf32>
    %slice3A_4 = vector.extract_strided_slice %get3A_3 {offsets = [0, 1], sizes = [64, 1], strides = [1, 1]} : vector<64x6xf32> to vector<64x1xf32>
    %slice3A_5 = vector.extract_strided_slice %get3A_3 {offsets = [0, 2], sizes = [64, 1], strides = [1, 1]} : vector<64x6xf32> to vector<64x1xf32>
    %slice3A_6 = vector.extract_strided_slice %get3A_3 {offsets = [0, 3], sizes = [64, 1], strides = [1, 1]} : vector<64x6xf32> to vector<64x1xf32>
    %get3A_7 = arith.constant 0 : index
    %get3A_8 = arith.constant 0 : index
    %get3A_9 = arith.constant 0 : index
    %get3A_10 = vector.load %arg2[%get3A_7, %get3A_8, %get3A_9] : memref<1x1x20480xf32, #tpu.memory_space<vmem>>, vector<1x1x20480xf32>
    %get3A_11 = vector.shape_cast %get3A_10 : vector<1x1x20480xf32> to vector<1x20480xf32>
    %get3A_12 = arith.constant 0 : index
    %get3A_13 = arith.constant 0 : index
    %get3A_14 = arith.constant 0 : index
    %get3A_15 = vector.load %arg3[%get3A_12, %get3A_13, %get3A_14] : memref<1x1x20480xf32, #tpu.memory_space<vmem>>, vector<1x1x20480xf32>
    %get3A_16 = vector.shape_cast %get3A_15 : vector<1x1x20480xf32> to vector<1x20480xf32>
    %get3A_17 = arith.constant 0 : index
    %get3A_18 = arith.constant 0 : index
    %get3A_19 = arith.constant 0 : index
    %get3A_20 = vector.load %arg4[%get3A_17, %get3A_18, %get3A_19] : memref<1x1x20480xf32, #tpu.memory_space<vmem>>, vector<1x1x20480xf32>
    %get3A_21 = vector.shape_cast %get3A_20 : vector<1x1x20480xf32> to vector<1x20480xf32>
    %get3A_22 = arith.constant 0 : index
    %get3A_23 = arith.constant 0 : index
    %get3A_24 = arith.constant 0 : index
    %get3A_25 = vector.load %arg5[%get3A_22, %get3A_23, %get3A_24] : memref<1x1x20480xf32, #tpu.memory_space<vmem>>, vector<1x1x20480xf32>
    %get3A_26 = vector.shape_cast %get3A_25 : vector<1x1x20480xf32> to vector<1x20480xf32>
    %div3A = arith.constant 2.000000e+00 : f32
    %div3A_27 = vector.broadcast %div3A : f32 to vector<64x1xf32>
    %div3A_28 = arith.divf %slice3A_5, %div3A_27 : vector<64x1xf32>
    %sub3A = arith.subf %slice3A, %div3A_28 : vector<64x1xf32>
    %div3A_29 = arith.constant 2.000000e+00 : f32
    %div3A_30 = vector.broadcast %div3A_29 : f32 to vector<64x1xf32>
    %div3A_31 = arith.divf %slice3A_6, %div3A_30 : vector<64x1xf32>
    %sub3A_32 = arith.subf %slice3A_4, %div3A_31 : vector<64x1xf32>
    %div3A_33 = arith.constant 2.000000e+00 : f32
    %div3A_34 = vector.broadcast %div3A_33 : f32 to vector<64x1xf32>
    %div3A_35 = arith.divf %slice3A_5, %div3A_34 : vector<64x1xf32>
    %add3A = arith.addf %slice3A, %div3A_35 : vector<64x1xf32>
    %div3A_36 = arith.constant 2.000000e+00 : f32
    %div3A_37 = vector.broadcast %div3A_36 : f32 to vector<64x1xf32>
    %div3A_38 = arith.divf %slice3A_6, %div3A_37 : vector<64x1xf32>
    %add3A_39 = arith.addf %slice3A_4, %div3A_38 : vector<64x1xf32>
    %div3A_40 = arith.constant 2.000000e+00 : f32
    %div3A_41 = vector.broadcast %div3A_40 : f32 to vector<1x20480xf32>
    %div3A_42 = arith.divf %get3A_21, %div3A_41 : vector<1x20480xf32>
    %sub3A_43 = arith.subf %get3A_11, %div3A_42 : vector<1x20480xf32>
    %div3A_44 = arith.constant 2.000000e+00 : f32
    %div3A_45 = vector.broadcast %div3A_44 : f32 to vector<1x20480xf32>
    %div3A_46 = arith.divf %get3A_26, %div3A_45 : vector<1x20480xf32>
    %sub3A_47 = arith.subf %get3A_16, %div3A_46 : vector<1x20480xf32>
    %div3A_48 = arith.constant 2.000000e+00 : f32
    %div3A_49 = vector.broadcast %div3A_48 : f32 to vector<1x20480xf32>
    %div3A_50 = arith.divf %get3A_21, %div3A_49 : vector<1x20480xf32>
    %add3A_51 = arith.addf %get3A_11, %div3A_50 : vector<1x20480xf32>
    %div3A_52 = arith.constant 2.000000e+00 : f32
    %div3A_53 = vector.broadcast %div3A_52 : f32 to vector<1x20480xf32>
    %div3A_54 = arith.divf %get3A_26, %div3A_53 : vector<1x20480xf32>
    %add3A_55 = arith.addf %get3A_16, %div3A_54 : vector<1x20480xf32>
    %max3A = vector.broadcast %sub3A_32 : vector<64x1xf32> to vector<64x20480xf32>
    %max3A_56 = vector.broadcast %sub3A_47 : vector<1x20480xf32> to vector<64x20480xf32>
    %max3A_57 = arith.maximumf %max3A, %max3A_56 : vector<64x20480xf32>
    %max3A_58 = vector.broadcast %sub3A : vector<64x1xf32> to vector<64x20480xf32>
    %max3A_59 = vector.broadcast %sub3A_43 : vector<1x20480xf32> to vector<64x20480xf32>
    %max3A_60 = arith.maximumf %max3A_58, %max3A_59 : vector<64x20480xf32>
    %min3A = vector.broadcast %add3A_39 : vector<64x1xf32> to vector<64x20480xf32>
    %min3A_61 = vector.broadcast %add3A_55 : vector<1x20480xf32> to vector<64x20480xf32>
    %min3A_62 = arith.minimumf %min3A, %min3A_61 : vector<64x20480xf32>
    %min3A_63 = vector.broadcast %add3A : vector<64x1xf32> to vector<64x20480xf32>
    %min3A_64 = vector.broadcast %add3A_51 : vector<1x20480xf32> to vector<64x20480xf32>
    %min3A_65 = arith.minimumf %min3A_63, %min3A_64 : vector<64x20480xf32>
    %sub3A_66 = arith.subf %min3A_65, %max3A_60 : vector<64x20480xf32>
    %max3A_67 = arith.constant 0.000000e+00 : f32
    %max3A_68 = vector.broadcast %max3A_67 : f32 to vector<64x20480xf32>
    %max3A_69 = arith.maximumf %max3A_68, %sub3A_66 : vector<64x20480xf32>
    %sub3A_70 = arith.subf %min3A_62, %max3A_57 : vector<64x20480xf32>
    %max3A_71 = arith.constant 0.000000e+00 : f32
    %max3A_72 = vector.broadcast %max3A_71 : f32 to vector<64x20480xf32>
    %max3A_73 = arith.maximumf %max3A_72, %sub3A_70 : vector<64x20480xf32>
    %mul3A = arith.mulf %max3A_69, %max3A_73 : vector<64x20480xf32>
    %mul3A_74 = arith.mulf %get3A_21, %get3A_26 : vector<1x20480xf32>
    %add3A_75 = arith.constant 9.99999974E-6 : f32
    %add3A_76 = vector.broadcast %add3A_75 : f32 to vector<1x20480xf32>
    %add3A_77 = arith.addf %mul3A_74, %add3A_76 : vector<1x20480xf32>
    %mul3A_78 = arith.mulf %slice3A_5, %slice3A_6 : vector<64x1xf32>
    %add3A_79 = vector.broadcast %mul3A_78 : vector<64x1xf32> to vector<64x20480xf32>
    %add3A_80 = vector.broadcast %add3A_77 : vector<1x20480xf32> to vector<64x20480xf32>
    %add3A_81 = arith.addf %add3A_79, %add3A_80 : vector<64x20480xf32>
    %sub3A_82 = arith.subf %add3A_81, %mul3A : vector<64x20480xf32>
    %div3A_83 = arith.divf %mul3A, %sub3A_82 : vector<64x20480xf32>
    %reduce_max3A = arith.constant dense<0xFF800000> : vector<64xf32>
    %reduce_max3A_84 = vector.multi_reduction <maximumf>, %div3A_83, %reduce_max3A [1] : vector<64x20480xf32> to vector<64xf32>
    %broadcast_in_dim3A = vector.shape_cast %reduce_max3A_84 : vector<64xf32> to vector<64x1xf32>
    %iota3A = tpu.iota {dimensions = array<i32: 1>} : vector<64x20480xi32>
    %eq3A = vector.broadcast %broadcast_in_dim3A : vector<64x1xf32> to vector<64x20480xf32>
    %eq3A_85 = arith.cmpf oeq, %div3A_83, %eq3A : vector<64x20480xf32>
    %jit3A = arith.constant 20480 : i32
    %broadcast_in_dim3A_86 = vector.broadcast %jit3A : i32 to vector<64x20480xi32>
    %select_n3A = arith.select %eq3A_85, %iota3A, %broadcast_in_dim3A_86 : vector<64x20480xi1>, vector<64x20480xi32>
    %reduce_min3A = arith.constant dense<2147483647> : vector<64xi32>
    %reduce_min3A_87 = vector.multi_reduction <minsi>, %select_n3A, %reduce_min3A [1] : vector<64x20480xi32> to vector<64xi32>
    %broadcast_in_dim3A_88 = vector.shape_cast %reduce_min3A_87 : vector<64xi32> to vector<64x1xi32>
    %swap3A = arith.constant 0 : index
    %swap3A_89 = arith.constant 0 : index
    %swap3A_90 = arith.constant 0 : index
    %swap3A_91 = vector.load %arg6[%swap3A, %swap3A_89, %swap3A_90] : memref<1x64x1xi32, #tpu.memory_space<vmem>>, vector<1x64x1xi32>
    %swap3A_92 = vector.shape_cast %swap3A_91 : vector<1x64x1xi32> to vector<64x1xi32>
    %swap3A_93 = vector.shape_cast %broadcast_in_dim3A_88 : vector<64x1xi32> to vector<1x64x1xi32>
    tpu.vector_store %arg6[%swap3A, %swap3A_89, %swap3A_90], %swap3A_93 {strides = array<i32>} : memref<1x64x1xi32, #tpu.memory_space<vmem>>, vector<1x64x1xi32>,
    return
  }
  func.func @transform_0(%arg0: i32) -> (i32, i32, i32) {
    %c0_i32 = arith.constant 0 : i32
    %c0_i32_0 = arith.constant 0 : i32
    %c0_i32_1 = arith.constant 0 : i32
    return %arg0, %c0_i32, %c0_i32_0 : i32, i32, i32
  }
  func.func @transform_1(%arg0: i32) -> (i32, i32, i32) {
    %c0_i32 = arith.constant 0 : i32
    %c0_i32_0 = arith.constant 0 : i32
    %c0_i32_1 = arith.constant 0 : i32
    %c0_i32_2 = arith.constant 0 : i32
    return %c0_i32, %c0_i32_0, %c0_i32_1 : i32, i32, i32
  }
  func.func @transform_2(%arg0: i32) -> (i32, i32, i32) {
    %c0_i32 = arith.constant 0 : i32
    %c0_i32_0 = arith.constant 0 : i32
    %c0_i32_1 = arith.constant 0 : i32
    %c0_i32_2 = arith.constant 0 : i32
    return %c0_i32, %c0_i32_0, %c0_i32_1 : i32, i32, i32
  }
  func.func @transform_3(%arg0: i32) -> (i32, i32, i32) {
    %c0_i32 = arith.constant 0 : i32
    %c0_i32_0 = arith.constant 0 : i32
    %c0_i32_1 = arith.constant 0 : i32
    %c0_i32_2 = arith.constant 0 : i32
    return %c0_i32, %c0_i32_0, %c0_i32_1 : i32, i32, i32
  }
  func.func @transform_4(%arg0: i32) -> (i32, i32, i32) {
    %c0_i32 = arith.constant 0 : i32
    %c0_i32_0 = arith.constant 0 : i32
    %c0_i32_1 = arith.constant 0 : i32
    %c0_i32_2 = arith.constant 0 : i32
    return %c0_i32, %c0_i32_0, %c0_i32_1 : i32, i32, i32
  }
  func.func @transform_5(%arg0: i32) -> (i32, i32, i32) {
    %c0_i32 = arith.constant 0 : i32
    %c0_i32_0 = arith.constant 0 : i32
    %c0_i32_1 = arith.constant 0 : i32
    return %arg0, %c0_i32, %c0_i32_0 : i32, i32, i32
  }
}

</mosaic_0001>

<sc_bundles>
// kernel: kernel.5.cloned.1.call-start
scs
__scs_entry_jumppad:
0x0: {  	(pc) =	sbr.rel $0x88, $3  }
0x1: {  	(tag) =	ssettag $0x0;
	lr =	simm.s32 $0x1  }
0x2: {  	[smem:$0x3F9F] =	sst lr;
	_ =	strace $0xD0000000  }
0x3: {  	_ = 	snop  }
0x4: {  	_ = 	snop  }
0x5: {  	_ = 	snop  }
0x6: {  	_ = 	snop  }
0x7: {  	_ = 	snop  }
__scs_overlays_trampoline_lowered:
0x8: {  	[smem:$0x3FAE] =	sst s0  }
0x9: {  	[smem:$0x3FAF] =	sst s1  }
0xa: {  	[smem:$0x3FB0] =	sst s2  }
0xb: {  	[smem:$0x3FB1] =	sst s3  }
0xc: {  	[smem:$0x3FB2] =	sst s4  }
0xd: {  	[smem:$0x3FB3] =	sst s5  }
0xe: {  	[smem:$0x3FB4] =	sst s6  }
0xf: {  	[smem:$0x3FB5] =	sst s7  }
0x10: {  	[smem:$0x3FB6] =	sst s8  }
0x11: {  	[smem:$0x3FB7] =	sst s9;
	s0 =	simm.s32 @!p0 $0x0  }
0x12: {  	s1 =	sld [smem:$0x3F9D];
	s0 =	simm.s32 @p0 $0x1  }
0x13: {  	[smem:$0x3FB8] =	sst s0;
	s0 =	simm.s32 @!p1 $0x0  }
0x14: {  	s2 =	sld [smem:$0x3F9C];
	s0 =	simm.s32 @p1 $0x1  }
0x15: {  	[smem:$0x3FB9] =	sst s0;
	s0 =	simm.s32 @!p2 $0x0  }
0x16: {  	s3 =	sld [smem:$0x3FDB];
	s0 =	simm.s32 @p2 $0x1  }
0x17: {  	s4 =	simm.s32 $0x1BF5;
	[smem:$0x3FBB] =	sst s0  }
0x18: {  	s0 =	sld [smem:$0x3F9E];
	_ =	swait.ge [sflag:s4], $0x0  }
0x19: {  	s7 =	sld [smem:$0x3F9F]  }
0x1a: {  	s8 =	sadd.s32 $0xFFFFE003, lr  }
0x1b: {  	s9 =	sadd.s32 $0xFFFFFEF7, lr;
	s5 =	simm.s32 $0xFFFFFFFF;
	p2 =	slt.u32 s8, $0xFFFFF086  }
0x1c: {  	p1 =	slt.u32 s9, $0xF7A;
	s5 =	simm.s32 @!p2 $0x0  }
0x1d: {  	s5 =	simm.s32 @p1 $0x1;
	p0 =	seq.s32 s7, s2  }
0x1e: {  	s7 =	smul.u32 @!p0 $0xF7A, s2;
	p2 =	seq.s32 @!p0 s5, $0x0  }
0x1f: {  	s9 =	smul.u32 $0xF7A, s1;
	s8 =	simm.s32 @!p0 $0x1BF5;
	p2 =	por !p2, p0  }
0x20: {  	[sflag:s8] =	ssyncset.s32 @!p0 $0xFFFFF086;
	s6 =	sadd.s32 @!p0 s3, s7;
	s7 =	simm.s32 @!p0 $0x108  }
0x21: {  	s3 =	sadd.s32 s3, s9;
	s6 =	sadd.s32 @!p0 $0x88, s6;
	s7 =	simm.s32 @p2 $0x1082  }
0x22: {  	[simem:s7], [sflag:s8] =	dma.local @!p0 [hbm:s6], $0xF7A  }
0x23: {  	s9 =	sor.u32 $0xD0000000, s2;
	s6 =	simm.s32 $0x108;
	_ =	swait.ge @!p0 [sflag:s8], $0x0  }
0x24: {  	s3 =	sadd.s32 $0x88, s3;
	s6 =	simm.s32 @!p1 $0x1082;
	[sflag:s4] =	ssyncset.s32 $0xFFFFF086  }
0x25: {  	[simem:s6], [sflag:s4] =	dma.local [hbm:s3], $0xF7A  }
0x26: {  	[smem:$0x3F9F] =	sst s1;
	(tag) =	ssettag s2;
	_ =	strace s9  }
0x27: {  	s1 =	sld [smem:$0x3FAF]  }
0x28: {  	s2 =	sld [smem:$0x3FB0]  }
0x29: {  	s4 =	sld [smem:$0x3FB2]  }
0x2a: {  	p0 =	seq.s32 s5, $0x0;
	s5 =	sld [smem:$0x3FB3]  }
0x2b: {  	s6 =	sld [smem:$0x3FB4]  }
0x2c: {  	s7 =	sld [smem:$0x3FB5]  }
0x2d: {  	s3 =	simm.s32 $0x108;
	s8 =	sld [smem:$0x3FB6]  }
0x2e: {  	s3 =	simm.s32 @!p0 $0x1082;
	s9 =	sld [smem:$0x3FB7]  }
0x2f: {  	lr =	sadd.s32 s0, s3;
	s0 =	sld [smem:$0x3FAE]  }
0x30: {  	s3 =	sld [smem:$0x3FB1]  }
0x31: {  	[smem:$0x3FBA] =	sst s10  }
0x32: {  	s10 =	sld [smem:$0x3FB8];
	_ =	sdelay $0x3  }
0x33: {  	p0 =	seq.s32 s10, $0x1;
	s10 =	sld [smem:$0x3FBA];
	_ =	sdelay $0x3  }
0x34: {  	[smem:$0x3FBA] =	sst s10  }
0x35: {  	s10 =	sld [smem:$0x3FB9];
	_ =	sdelay $0x3  }
0x36: {  	p1 =	seq.s32 s10, $0x1;
	s10 =	sld [smem:$0x3FBA];
	_ =	sdelay $0x3  }
0x37: {  	[smem:$0x3FBA] =	sst s10  }
0x38: {  	s10 =	sld [smem:$0x3FBB]  }
0x39: {  	_ = 	snop;
	(pc) =	sbr.ind lr, $3  }
0x3a: {  	_ = 	snop  }
0x3b: {  	_ = 	snop  }
0x3c: {  	p2 =	seq.s32 s10, $0x1;
	s10 =	sld [smem:$0x3FBA]  }
0x3d: {  	_ =	shalt  }
0x3e: {  	_ =	shalt  }
0x3f: {  	_ =	shalt  }
0x40: {  	_ =	shalt  }
0x41: {  	_ =	shalt  }
0x42: {  	_ =	shalt  }
0x43: {  	_ =	shalt  }
0x44: {  	_ =	shalt  }
0x45: {  	_ =	shalt  }
0x46: {  	_ =	shalt  }
0x47: {  	_ =	shalt  }
0x48: {  	_ =	shalt  }
0x49: {  	_ =	shalt  }
0x4a: {  	_ =	shalt  }
0x4b: {  	_ =	shalt  }
0x4c: {  	_ =	shalt  }
0x4d: {  	_ =	shalt  }
0x4e: {  	_ =	shalt  }
0x4f: {  	_ =	shalt  }
0x50: {  	_ =	shalt  }
0x51: {  	_ =	shalt  }
0x52: {  	_ =	shalt  }
0x53: {  	_ =	shalt  }
0x54: {  	_ =	shalt  }
0x55: {  	_ =	shalt  }
0x56: {  	_ =	shalt  }
0x57: {  	_ =	shalt  }
0x58: {  	_ =	shalt  }
0x59: {  	_ =	shalt  }
0x5a: {  	_ =	shalt  }
0x5b: {  	_ =	shalt  }
0x5c: {  	_ =	shalt  }
0x5d: {  	_ =	shalt  }
0x5e: {  	_ =	shalt  }
0x5f: {  	_ =	shalt  }
0x60: {  	_ =	shalt  }
0x61: {  	_ =	shalt  }
0x62: {  	_ =	shalt  }
0x63: {  	_ =	shalt  }
0x64: {  	_ =	shalt  }
0x65: {  	_ =	shalt  }
0x66: {  	_ =	shalt  }
0x67: {  	_ =	shalt  }
0x68: {  	_ =	shalt  }
0x69: {  	_ =	shalt  }
0x6a: {  	_ =	shalt  }
0x6b: {  	_ =	shalt  }
0x6c: {  	_ =	shalt  }
0x6d: {  	_ =	shalt  }
0x6e: {  	_ =	shalt  }
0x6f: {  	_ =	shalt  }
0x70: {  	_ =	shalt  }
0x71: {  	_ =	shalt  }
0x72: {  	_ =	shalt  }
0x73: {  	_ =	shalt  }
0x74: {  	_ =	shalt  }
0x75: {  	_ =	shalt  }
0x76: {  	_ =	shalt  }
0x77: {  	_ =	shalt  }
0x78: {  	_ =	shalt  }
0x79: {  	_ =	shalt  }
0x7a: {  	_ =	shalt  }
0x7b: {  	_ =	shalt  }
0x7c: {  	_ =	shalt  }
0x7d: {  	_ =	shalt  }
0x7e: {  	_ =	shalt  }
0x7f: {  	_ =	shalt  }
0x80: {  	_ =	shalt  }
0x81: {  	_ =	shalt  }
0x82: {  	_ =	shalt  }
0x83: {  	_ =	shalt  }
0x84: {  	_ =	shalt  }
0x85: {  	_ =	shalt  }
0x86: {  	_ =	shalt  }
0x87: {  	_ =	shalt  }
.Lfunc_end0:
.L_simem_size_0:
called_computation.1_lowered:
.L_overlay_start_0:
0x88: {  	s2 =	sld [smem:$0x3FD9]  }
0x89: {  	s3 =	sld [smem:$0x3FFE];
	_ =	sdelay $0x1  }
0x8a: {  	s1 =	srdreg.scid  }
0x8b: {  	s0 =	sand.u32 $0x1, s1  }
0x8c: {  	s14 =	sshll.u32 s0, $0xA;
	s2 =	sadd.s32 s3, s2  }
0x8d: {  	s2 =	sadd.s32 s2, s14  }
0x8e: {  	[smem:$0x3FC6] =	sst s2  }
0x8f: {  	_ = 	snop  }
0x90: {  	s2 =	sld [smem:$0x3FD0];
	_ =	sdelay $0x2  }
0x91: {  	s15 =	simm.s32 $0xA;
	s4 =	simm.s32 $0x10  }
0x92: {  	[smem:s4], [sflag:s15] =	dma.local [hbm:s2], $0x1  }
0x93: {  	_ =	swait.eq [sflag:s15], $0x1  }
0x94: {  	s16 =	sld [smem:$0x10];
	[sflag:s15] =	ssyncset.done $0x0  }
0x95: {  	s17 =	sld [smem:$0x11];
	[sflag:s15] =	ssyncadd.s32 $0xFFFFFFFF  }
0x96: {  	s18 =	sld [smem:$0x12];
	(tm) =	ssettm $0x1  }
0x97: {  	s5 =	sld [smem:$0x3FFB];
	_ =	sdelay $0x3  }
0x98: {  	_ =	strace s5  }
0x99: {  	s5 =	sld [smem:$0x3FFC];
	_ =	sdelay $0x3  }
0x9a: {  	_ =	strace s5  }
0x9b: {  	s5 =	sld [smem:$0x3FFD];
	_ =	sdelay $0x3  }
0x9c: {  	_ =	strace s5  }
0x9d: {  	_ =	strace $0x8FFFFFFF  }
0x9e: {  	s19 =	sld [smem:$0x3FDB];
	_ =	sdelay $0x1  }
0x9f: {  	s6 =	simm.s32 $_scs_section_size  }
0xa0: {  	s7 =	simm.s32 $_size__tile_overlayer_lowered;
	s8 =	simm.s32 $_tile_overlayer_lowered  }
0xa1: {  	s22 =	simm.s32 $0x1BFF;
	s21 =	sshll.u32 s8, $0x1;
	s5 =	sadd.s32 s6, s19  }
0xa2: {  	s9 =	simm.s32 $0x0;
	s20 =	sshll.u32 s7, $0x1;
	s7 =	sadd.s32 s21, s5  }
0xa3: {  	[timem:s9], [sflag:s22] =	dma.local [hbm:s7], s20  }
0xa4: {  	_ =	swait.ge [sflag:s22], s20  }
0xa5: {  	s6 =	ssub.s32 $0x0, s20;
	[sflag:s22] =	ssyncset.done $0x0  }
0xa6: {  	[sflag:s22] =	ssyncadd.s32 s6;
	_ =	sdelay $0x1  }
0xa7: {  	s23 =	simm.s32 $0x1B8B  }
0xa8: {  	_ =	swait.ge [sflag:s23], $0x1  }
0xa9: {  	[sflag:s23] =	ssyncset.done $0x0  }
0xaa: {  	s25 =	simm.s32 $0x1B8E;
	s24 =	sld [smem:$0x3FFE];
	[sflag:s23] =	ssyncadd.s32 $0xFFFFFFFF  }
0xab: {  	s26 =	simm.s32 $execute0_lowered;
	[smem:$0x3FD2] =	sst s25  }
0xac: {  	s7 =	sshll.u32 s26, $0x1;
	_ =	strace $0x80000046;
	[dreg:$0x1] =	wrdreg $0xFFFFFFFF  }
0xad: {  	s28 =	simm.s32 $_size_execute0_lowered;
	s5 =	sadd.s32 s5, s7;
	[dreg:$0x0] =	wrdreg $0x0  }
0xae: {  	s7 =	sshll.u32 s28, $0x1;
	[dreg:$0x2] =	wrdreg s5  }
0xaf: {  	[dreg:$0x3] =	wrdreg s7  }
0xb0: {  	[dreg:$0x4] =	wrdreg $0xC0  }
0xb1: {  	_ =	task [dreg:s9], $0x5FFFF  }
0xb2: {  	[dreg:$0x1] =	wrdreg $0xFFFFFFFF  }
0xb3: {  	[dreg:$0x0] =	wrdreg $0x60  }
0xb4: {  	[dreg:$0x2] =	wrdreg s24  }
0xb5: {  	[dreg:$0x3] =	wrdreg s16  }
0xb6: {  	[dreg:$0x4] =	wrdreg s17  }
0xb7: {  	[dreg:$0x5] =	wrdreg s18  }
0xb8: {  	[dreg:$0x6] =	wrdreg $0x9  }
0xb9: {  	_ =	task.clear_ibuf [dreg:s9], $0x7FFFF;
	_ =	strace $0x90000046  }
0xba: {  	s29 =	simm.s32 $0x9;
	_ =	strace $0x80000048  }
0xbb: {  	_ =	swait.ge [sflag:s29], $0x1  }
0xbc: {  	[sflag:s29] =	ssyncadd.s32 $0xFFFFFFFF  }
0xbd: {  	_ =	strace $0x90000048  }
0xbe: {  	_ =	sfence  }
0xbf: {  	s30 =	sld [smem:$0x0];
	_ =	sdelay $0x2  }
0xc0: {  	s31 =	sshll.u32 s1, $0xD;
	s1 =	sshrl.u32 s1, $0x2  }
0xc1: {  	s3 =	sand.u32 $0x4000, s31;
	s1 =	sadd.s32 s1, s30  }
0xc2: {  	s0 =	sor.u32 s3, s0;
	s1 =	sshll.u32 s1, $0x11  }
0xc3: {  	s0 =	sor.u32 s1, s0  }
0xc4: {  	s0 =	sadd.s32 $0x8F2B, s0  }
0xc5: {  	[sflag:s0] =	ssyncadd.remote.s32 $0x1  }
0xc6: {  	_ =	sfence.sel $0xFFFF  }
0xc7: {  	[dreg:$0x0] =	wrdreg $0xFFFFFFFF;
	(pc) =	sbr.abs _section_cstart, $3  }
0xc8: {  	[dreg:$0x1] =	wrdreg $0xFFFFFFFF  }
0xc9: {  	_ =	task.clear_ibuf [dreg:s9], $0x2FFFF;
	_ =	strace $0x9FFFFFFF  }
0xca: {  	(tm) =	ssettm $0x7FFFFFFF  }
0xcb: {  	_ =	shalt  }
tec
execute0_lowered:
.L_overlay_start_1:
0x0: {  	(tag) =	ssettag $0x1  }
0x1: {  	s5 =	rddreg [dreg:$0x0]  }
0x2: {  	s1 =	rddreg [dreg:$0x1]  }
0x3: {  	s6 =	rddreg [dreg:$0x2];
	s0 =	stileid.u32  }
0x4: {  	s2 =	srdreg.scid;
	s7 =	rddreg [dreg:$0x3];
	s12 =	simm.s32 $0x9C80  }
0x5: {  	s4 =	sand.u32 $0x1, s2;
	s3 =	sshll.u32 s0, $0x1;
	s8 =	sshrl.u32 s0, $0x1  }
0x6: {  	s13 =	simm.s32 $0x0;
	s9 =	sor.u32 s4, s3;
	s8 =	smul.u32 $0x5000, s8  }
0x7: {  	s2 =	rddreg [dreg:$0x4];
	s11 =	ssub.s32 $0x2, s4;
	s4 =	smul.u32 $0x1388, s9  }
0x8: {  	s3 =	simm.s32 $0x0;
	s10 =	sand.u32 $0x3, s9;
	s9 =	smul.u32 $0x9C4, s9  }
0x9: {  	[smem:$0x7FF] =	sst s3;
	s30 =	sshrl.u32 s11, $0x1;
	s10 =	smul.u32 $0x1388, s10  }
0xa: {  	_ =	strace $0x80000047;
	s5 =	sadd.s32 s8, s5;
	s8 =	ssub.s32 s11, s30  }
0xb: {  	s11 =	simm.s32 $0x18780;
	s31 =	sshrl.u32 s4, $0x3;
	s6 =	sadd.s32 s6, s9  }
0xc: {  	s8 =	smax.u32 s8, $0x1;
	s9 =	simm.s32 $0x1;
	s5 =	sadd.s32 s10, s5  }
0xd: {  	v0 =	vlaneseq.u32;
	v1 =	vimm.f32 $0.0e+00;
	s7 =	sadd.s32 s7, s31;
	s10 =	simm.s32 $0x13900;
	s5 =	sadd.s32 $0x281200, s5  }
.LBB2_1:
0xe: {  	v2 =	vor.u32 s3, v0  }
0xf: {  	vm0 =	vlt.s32 v2, $0x1387  }
0x10: {  	v2 =	vnsel vm0, $0x1387, v2  }
0x11: {  	v4 =	vshll.u32 v2, $0x3  }
0x12: {  	v3 =	vor.u32 $0x1, v4  }
0x13: {  	[tilespmem:s3], [sflag:$0x1] =	stream.linear.gather [hbm4b:s5+s3], $0x9C40, $0x38;
	[tilespmem:$0x19B80] =	vst v63  }
0x14: {  	_ =	swait.ge [sflag:s9], $0x9C40  }
0x15: {  	[sflag:s9] =	ssyncset.done $0x0  }
0x16: {  	[sflag:s9] =	ssyncadd.s32 $0xFFFF63C0  }
0x17: {  	v5 =	vshll.u32 v2, $0x2;
	v3 =	vld.idx.msk [tilespmem:v3+s3+$0x0], $0xffff  }
0x18: {  	v6 =	vor.u32 $0x2, v4;
	_ =	sdelay $0x3  }
0x19: {  	[tilespmem:v5+s10+$0x0] =	vst.idx.msk $0xffff, v3  }
0x1a: {  	v3 =	vld.idx.msk [tilespmem:v6+s3+$0x0], $0xffff;
	v6 =	vor.u32 $0x1, v5  }
0x1b: {  	v7 =	vor.u32 $0x3, v4;
	_ =	sdelay $0x3  }
0x1c: {  	[tilespmem:v6+s10+$0x0] =	vst.idx.msk $0xffff, v3  }
0x1d: {  	v6 =	vor.u32 $0x2, v5;
	v3 =	vld.idx.msk [tilespmem:v7+s3+$0x0], $0xffff  }
0x1e: {  	v7 =	vor.u32 $0x4, v4;
	_ =	sdelay $0x3  }
0x1f: {  	[tilespmem:v6+s10+$0x0] =	vst.idx.msk $0xffff, v3  }
0x20: {  	v5 =	vor.u32 $0x3, v5;
	v3 =	vld.idx.msk [tilespmem:v7+s3+$0x0], $0xffff  }
0x21: {  	v4 =	vor.u32 $0x5, v4;
	_ =	sdelay $0x1  }
0x22: {  	s14 =	simm.s32 $0x10  }
0x23: {  	v6 =	vor.u32 s14, v0;
	s14 =	simm.s32 $0x20  }
.LBB2_2:
0x24: {  	p0 =	sne.s32 s14, $0x1380;
	vm0 =	vlt.s32 v6, $0x1387;
	[tilespmem:v5+s10+$0x0] =	vst.idx.msk $0xffff, v3  }
0x25: {  	v3 =	vnsel vm0, $0x1387, v6;
	v4 =	vld.idx.msk [tilespmem:v4+s3+$0x0], $0xffff  }
0x26: {  	v6 =	vshll.u32 v3, $0x3  }
0x27: {  	v5 =	vor.u32 $0x1, v6;
	_ =	sdelay $0x3  }
0x28: {  	[tilespmem:v2+s11+$0x0] =	vst.idx.msk $0xffff, v4;
	v2 =	vmov v3  }
0x29: {  	v3 =	vld.idx.msk [tilespmem:v5+s3+$0x0], $0xffff  }
0x2a: {  	v4 =	vshll.u32 v2, $0x2  }
0x2b: {  	v5 =	vor.u32 $0x2, v6;
	_ =	sdelay $0x3  }
0x2c: {  	[tilespmem:v4+s10+$0x0] =	vst.idx.msk $0xffff, v3  }
0x2d: {  	v3 =	vld.idx.msk [tilespmem:v5+s3+$0x0], $0xffff  }
0x2e: {  	v5 =	vor.u32 $0x1, v4  }
0x2f: {  	v7 =	vor.u32 $0x3, v6;
	_ =	sdelay $0x3  }
0x30: {  	[tilespmem:v5+s10+$0x0] =	vst.idx.msk $0xffff, v3  }
0x31: {  	v3 =	vld.idx.msk [tilespmem:v7+s3+$0x0], $0xffff  }
0x32: {  	v5 =	vor.u32 $0x2, v4  }
0x33: {  	v7 =	vor.u32 $0x4, v6;
	_ =	sdelay $0x3  }
0x34: {  	[tilespmem:v5+s10+$0x0] =	vst.idx.msk $0xffff, v3  }
0x35: {  	v3 =	vld.idx.msk [tilespmem:v7+s3+$0x0], $0xffff  }
.Ltmp0:
0x36: {  	v5 =	vor.u32 $0x3, v4;
	(pc) =	sbr.rel @p0 .LBB2_2-.Ltmp0, $2  }
0x37: {  	v4 =	vor.u32 $0x5, v6;
	_ =	sdelay $0x2  }
0x38: {  	v6 =	vor.u32 s14, v0;
	s14 =	sadd.s32 $0x10, s14  }
0x39: {  	_ =	sdelay $0x2  }
0x3a: {  	vm0 =	vlt.s32 v6, $0x1387  }
0x3b: {  	[tilespmem:v5+s10+$0x0] =	vst.idx.msk $0xffff, v3;
	v3 =	vnsel vm0, $0x1387, v6  }
0x3c: {  	v4 =	vld.idx.msk [tilespmem:v4+s3+$0x0], $0xffff;
	v57 =	vshll.u32 v3, $0x3  }
0x3d: {  	v58 =	vor.u32 $0x1, v57;
	_ =	sdelay $0x3  }
0x3e: {  	[tilespmem:v2+s11+$0x0] =	vst.idx.msk $0xffff, v4  }
0x3f: {  	v59 =	vshll.u32 v3, $0x2;
	v2 =	vld.idx.msk [tilespmem:v58+s3+$0x0], $0xffff  }
0x40: {  	v60 =	vor.u32 $0x2, v57;
	_ =	sdelay $0x3  }
0x41: {  	[tilespmem:v59+s10+$0x0] =	vst.idx.msk $0xffff, v2  }
0x42: {  	v61 =	vor.u32 $0x1, v59;
	v2 =	vld.idx.msk [tilespmem:v60+s3+$0x0], $0xffff  }
0x43: {  	v7 =	vor.u32 $0x3, v57;
	_ =	sdelay $0x3  }
0x44: {  	[tilespmem:v61+s10+$0x0] =	vst.idx.msk $0xffff, v2  }
0x45: {  	v62 =	vor.u32 $0x2, v59;
	v2 =	vld.idx.msk [tilespmem:v7+s3+$0x0], $0xffff  }
0x46: {  	v63 =	vor.u32 $0x4, v57;
	_ =	sdelay $0x3  }
0x47: {  	[tilespmem:v62+s10+$0x0] =	vst.idx.msk $0xffff, v2  }
0x48: {  	v4 =	vor.u32 $0x3, v59;
	v2 =	vld.idx.msk [tilespmem:v63+s3+$0x0], $0xffff  }
0x49: {  	v5 =	vor.u32 $0x5, v57;
	_ =	sdelay $0x3  }
0x4a: {  	[tilespmem:v4+s10+$0x0] =	vst.idx.msk $0xffff, v2  }
0x4b: {  	v2 =	vld.idx.msk [tilespmem:v5+s3+$0x0], $0xffff;
	_ =	sdelay $0x4  }
0x4c: {  	s14 =	simm.s32 $0x0;
	[tilespmem:v3+s11+$0x0] =	vst.idx.msk $0xffff, v2  }
0x4d: {  	[hbm4b:s6+s14] =	stream.linear.scatter [tilespmem:s10], [sflag:$0x1], $0x4E20, $0x38;
	[tilespmem:$0x19B80] =	vst v63  }
0x4e: {  	_ =	swait.ge [sflag:s9], $0x4E20  }
0x4f: {  	[sflag:s9] =	ssyncset.done $0x0  }
0x50: {  	[sflag:s9] =	ssyncadd.s32 $0xFFFFB1E0  }
0x51: {  	[hbm4b:s7+s14] =	stream.linear.scatter [tilespmem:s11], [sflag:$0x1], $0x1388, $0x38;
	[tilespmem:$0x19B80] =	vst v63  }
0x52: {  	_ =	swait.ge [sflag:s9], $0x1388  }
0x53: {  	[sflag:s9] =	ssyncset.done $0x0  }
0x54: {  	s15 =	simm.s32 $0x40;
	s16 =	simm.s32 $0x0;
	[sflag:s9] =	ssyncadd.s32 $0xFFFFEC78  }
.LBB2_4:
0x55: {  	p0 =	sne.s32 s15, $0x270C0;
	[tilespmem:s16+$0x9C80] =	vst v1;
	s16 =	smov.u32 s15;
	s15 =	sadd.s32 $0x40, s15  }
.Ltmp1:
0x56: {  	(pc) =	sbr.rel @p0 .LBB2_4-.Ltmp1, $2  }
0x57: {  	_ =	sdelay $0x2  }
0x58: {  	s16 =	sshra.s32 s16, $0x2  }
0x59: {  	[tilespmem:s16+$0x9C80] =	vst v1;
	s15 =	simm.s32 $0x0  }
.LBB2_6:
0x5a: {  	s16 =	smul.u32 $0x1F4, s15;
	_ =	sdelay $0x1  }
0x5b: {  	s18 =	sadd.s32 $0x0, s14;
	s17 =	sadd.s32 $0x1F3, s16  }
0x5c: {  	v2 =	vadd.s32 s18, v0;
	v3 =	vmov s17  }
0x5d: {  	vm0 =	vlt.s32 v2, v3  }
0x5e: {  	v5 =	vsel vm0, v2, v3  }
0x5f: {  	v2 =	vshll.u32 v5, $0x3;
	_ =	sdelay $0x4  }
0x60: {  	v4 =	vld.idx.msk [tilespmem:v2+s3+$0x0], $0xffff;
	_ =	sdelay $0x4  }
0x61: {  	v4 =	vtrunc.f32 v4  }
0x62: {  	v2 =	vmov s16;
	v4 =	vcvt.f32.s32 v4  }
0x63: {  	s18 =	sadd.s32 $0x10, s14;
	s17 =	simm.s32 $0x20;
	v5 =	vsub.s32 v5, v2  }
.LBB2_7:
0x64: {  	p0 =	sne.s32 s17, $0x1F0;
	v6 =	vadd.s32 s18, v0;
	v5 =	vmul.u32 $0x50, v5;
	vm0 =	vlt.s32 v4, $0x4F  }
0x65: {  	vm1 =	vlt.s32 v6, v3;
	v7 =	vnsel vm0, $0x4F, v4  }
0x66: {  	v6 =	vsel vm1, v6, v3;
	v5 =	vadd.s32 v5, v7  }
0x67: {  	v7 =	vshll.u32 v6, $0x3;
	_ =	sdelay $0x1  }
0x68: {  	vm0 =	vlt.s32 v4, $0x50  }
0x69: {  	v4 =	vsel vm0, $0x3F800000, v1  }
0x6a: {  	[tilespmem:v5+s12+$0x0] =	vst.idx.msk $0xffff, v4  }
0x6b: {  	v4 =	vld.idx.msk [tilespmem:v7+s3+$0x0], $0xffff;
	_ =	sdelay $0x3  }
.Ltmp2:
0x6c: {  	(pc) =	sbr.rel @p0 .LBB2_7-.Ltmp2, $4  }
0x6d: {  	_ = 	snop  }
0x6e: {  	v4 =	vtrunc.f32 v4  }
0x6f: {  	v4 =	vcvt.f32.s32 v4  }
0x70: {  	s18 =	sadd.s32 s17, s14;
	s17 =	sadd.s32 $0x10, s17;
	v5 =	vsub.s32 v6, v2  }
0x71: {  	v6 =	vadd.s32 s18, v0;
	v5 =	vmul.u32 $0x50, v5;
	vm0 =	vlt.s32 v4, $0x4F  }
0x72: {  	vm1 =	vlt.s32 v6, v3;
	v7 =	vnsel vm0, $0x4F, v4  }
0x73: {  	v6 =	vsel vm1, v6, v3;
	v5 =	vadd.s32 v5, v7  }
0x74: {  	v7 =	vshll.u32 v6, $0x3;
	_ =	sdelay $0x1  }
0x75: {  	vm12 =	vlt.s32 v4, $0x50  }
0x76: {  	v4 =	vsel vm12, $0x3F800000, v1  }
0x77: {  	[tilespmem:v5+s12+$0x0] =	vst.idx.msk $0xffff, v4  }
0x78: {  	v4 =	vld.idx.msk [tilespmem:v7+s3+$0x0], $0xffff;
	_ =	sdelay $0x4  }
0x79: {  	v4 =	vtrunc.f32 v4  }
0x7a: {  	v4 =	vcvt.f32.s32 v4  }
0x7b: {  	v5 =	vsub.s32 v6, v2  }
0x7c: {  	v5 =	vmul.u32 $0x50, v5;
	vm13 =	vlt.s32 v4, $0x4F  }
0x7d: {  	v6 =	vnsel vm13, $0x4F, v4  }
0x7e: {  	v5 =	vadd.s32 v5, v6  }
0x7f: {  	s17 =	sadd.s32 $0x0, s14  }
0x80: {  	s16 =	sadd.s32 s4, s16;
	v6 =	vadd.s32 s17, v0  }
0x81: {  	s16 =	smul.u32 $0xA, s16;
	vm14 =	vlt.s32 v4, $0x50;
	vm15 =	vlt.s32 v6, v3  }
0x82: {  	v4 =	vsel vm14, $0x3F800000, v1;
	v6 =	vsel vm15, v6, v3  }
0x83: {  	s31 =	simm.s32 $0x0;
	s16 =	sadd.s32 s1, s16;
	[tilespmem:v5+s12+$0x0] =	vst.idx.msk $0xffff, v4;
	v4 =	vshll.u32 v6, $0x3  }
0x84: {  	[hbm4b:s16+s31] =	stream.linear.scatter [tilespmem:s12], [sflag:$0x1], $0x9C40, $0x38;
	[tilespmem:$0x19B80] =	vst v63  }
0x85: {  	_ =	swait.ge [sflag:s9], $0x9C40  }
0x86: {  	[sflag:s9] =	ssyncset.done $0x0  }
0x87: {  	[sflag:s9] =	ssyncadd.s32 $0xFFFF63C0  }
0x88: {  	v4 =	vld.idx.msk [tilespmem:v4+s3+$0x0], $0xffff;
	_ =	sdelay $0x4  }
0x89: {  	v4 =	vtrunc.f32 v4  }
0x8a: {  	v4 =	vcvt.f32.s32 v4  }
0x8b: {  	s17 =	sadd.s32 $0x10, s14;
	v5 =	vsub.s32 v6, v2;
	s16 =	simm.s32 $0x20  }
.LBB2_9:
0x8c: {  	p0 =	sne.s32 s16, $0x1F0;
	v6 =	vadd.s32 s17, v0;
	v5 =	vmul.u32 $0x50, v5;
	vm0 =	vlt.s32 v4, $0x4F  }
0x8d: {  	vm1 =	vlt.s32 v6, v3;
	v4 =	vnsel vm0, $0x4F, v4  }
0x8e: {  	v6 =	vsel vm1, v6, v3;
	v4 =	vadd.s32 v5, v4  }
0x8f: {  	v5 =	vshll.u32 v6, $0x3;
	_ =	sdelay $0x3  }
0x90: {  	[tilespmem:v4+s12+$0x0] =	vst.idx.msk $0xffff, v1  }
0x91: {  	v4 =	vld.idx.msk [tilespmem:v5+s3+$0x0], $0xffff;
	_ =	sdelay $0x3  }
.Ltmp3:
0x92: {  	(pc) =	sbr.rel @p0 .LBB2_9-.Ltmp3, $4  }
0x93: {  	_ = 	snop  }
0x94: {  	v4 =	vtrunc.f32 v4  }
0x95: {  	v4 =	vcvt.f32.s32 v4  }
0x96: {  	s17 =	sadd.s32 s16, s14;
	s16 =	sadd.s32 $0x10, s16;
	v5 =	vsub.s32 v6, v2  }
0x97: {  	v6 =	vadd.s32 s17, v0;
	v5 =	vmul.u32 $0x50, v5;
	vm0 =	vlt.s32 v4, $0x4F  }
0x98: {  	vm1 =	vlt.s32 v6, v3;
	v4 =	vnsel vm0, $0x4F, v4  }
0x99: {  	v3 =	vsel vm1, v6, v3;
	v4 =	vadd.s32 v5, v4  }
0x9a: {  	v63 =	vshll.u32 v3, $0x3;
	_ =	sdelay $0x3  }
0x9b: {  	[tilespmem:v4+s12+$0x0] =	vst.idx.msk $0xffff, v1  }
0x9c: {  	v4 =	vld.idx.msk [tilespmem:v63+s3+$0x0], $0xffff;
	_ =	sdelay $0x4  }
0x9d: {  	v4 =	vtrunc.f32 v4  }
0x9e: {  	v4 =	vcvt.f32.s32 v4  }
0x9f: {  	v2 =	vsub.s32 v3, v2  }
0xa0: {  	v2 =	vmul.u32 $0x50, v2;
	vm15 =	vlt.s32 v4, $0x4F  }
0xa1: {  	s15 =	sadd.s32 $0x1, s15;
	v3 =	vnsel vm15, $0x4F, v4  }
0xa2: {  	p0 =	sne.s32 s15, $0xA;
	v2 =	vadd.s32 v2, v3  }
.Ltmp4:
0xa3: {  	_ = 	snop;
	(pc) =	sbr.rel @p0 .LBB2_6-.Ltmp4, $2  }
0xa4: {  	_ =	sdelay $0x2  }
0xa5: {  	s14 =	sadd.s32 $0x1F4, s14;
	[tilespmem:v2+s12+$0x0] =	vst.idx.msk $0xffff, v1  }
0xa6: {  	s13 =	sadd.s32 $0x1, s13  }
0xa7: {  	p0 =	sne.s32 s13, s8  }
.Ltmp5:
0xa8: {  	_ = 	snop;
	(pc) =	sbr.rel @p0 .LBB2_1-.Ltmp5, $1  }
0xa9: {  	_ =	sdelay $0x3  }
0xaa: {  	_ =	sfence.sel $0x180000  }
0xab: {  	[bflag:$0x0] =	sbarrier.arrive $0xFFFF  }
0xac: {  	p0 =	sne.s32 s0, $0x0;
	_ =	strace $0x90000047  }
0xad: {  	s0 =	sadd.s32 @!p0 $0x100000, s2;
	[bflag:$0x2] =	sbarrier.arrive $0xFFFF  }
0xae: {  	[sflag:s0] =	ssyncadd.tile.s32 @!p0 $0x1;
	_ =	shalt  }
.Lfunc_end2:
_tile_overlayer_lowered:
.L_overlay_start_2:
0xaf: {  	(tag) =	ssettag $0x2  }
0xb0: {  	s0 =	rddreg [dreg:$0x0];
	s2 =	stileid.u32  }
0xb1: {  	s1 =	rddreg [dreg:$0x1];
	p0 =	sne.s32 s2, $0x0  }
0xb2: {  	s3 =	rddreg [dreg:$0x2];
	[bflag:$0x3] =	sbarrier.arrive $0xFFFF;
	s2 =	simm.s32 @!p0 $0x1C01  }
0xb3: {  	[timem:s3], [sflag:s2] =	dma.local @!p0 [hbm:s0], s1  }
0xb4: {  	s0 =	simm.s32 @!p0 $0x1  }
0xb5: {  	_ =	swait.ge @!p0 [sflag:s0], s1  }
0xb6: {  	s1 =	ssub.s32 @!p0 $0x0, s1;
	[sflag:s0] =	ssyncset.done @!p0 $0x0  }
0xb7: {  	[sflag:s0] =	ssyncadd.s32 @!p0 s1  }
0xb8: {  	[bflag:$0x3] =	sbarrier.arrive $0xFFFF  }
0xb9: {  	_ =	shalt  }

// kernel: sparse-core-data-format-call.cloned.1.call-start
scs
called_computation_lowered:
.L_overlay_start_0:
0x0: {  	s2 =	sld [smem:$0x3FD9]  }
0x1: {  	s3 =	sld [smem:$0x3FFE];
	_ =	sdelay $0x1  }
0x2: {  	s1 =	srdreg.scid  }
0x3: {  	s0 =	sand.u32 $0x1, s1  }
0x4: {  	s15 =	sshll.u32 s0, $0xA;
	s2 =	sadd.s32 s3, s2  }
0x5: {  	s2 =	sadd.s32 s2, s15  }
0x6: {  	[smem:$0x3FC6] =	sst s2  }
0x7: {  	_ = 	snop  }
0x8: {  	s2 =	sld [smem:$0x3FD0];
	_ =	sdelay $0x2  }
0x9: {  	s16 =	simm.s32 $0xA;
	s4 =	simm.s32 $0x10  }
0xa: {  	[smem:s4], [sflag:s16] =	dma.local [hbm:s2], $0x1  }
0xb: {  	_ =	swait.eq [sflag:s16], $0x1  }
0xc: {  	[sflag:s16] =	ssyncset.done $0x0  }
0xd: {  	[sflag:s16] =	ssyncadd.s32 $0xFFFFFFFF  }
0xe: {  	s17 =	sld [smem:$0x10];
	(tm) =	ssettm $0x1  }
0xf: {  	s18 =	sld [smem:$0x3FFB];
	_ =	sdelay $0x3  }
0x10: {  	_ =	strace s18  }
0x11: {  	s3 =	sld [smem:$0x3FFC];
	_ =	sdelay $0x3  }
0x12: {  	_ =	strace s3  }
0x13: {  	s3 =	sld [smem:$0x3FFD];
	_ =	sdelay $0x3  }
0x14: {  	_ =	strace s3  }
0x15: {  	_ =	strace $0x8FFFFFFF  }
0x16: {  	s19 =	sld [smem:$0x3FDB];
	_ =	sdelay $0x1  }
0x17: {  	s20 =	simm.s32 $_scs_section_size  }
0x18: {  	s5 =	simm.s32 $_size__tile_overlayer_lowered;
	s6 =	simm.s32 $_tile_overlayer_lowered  }
0x19: {  	s23 =	simm.s32 $0x1BFF;
	s22 =	sshll.u32 s6, $0x1;
	s3 =	sadd.s32 s20, s19  }
0x1a: {  	s7 =	simm.s32 $0x0;
	s21 =	sshll.u32 s5, $0x1;
	s5 =	sadd.s32 s22, s3  }
0x1b: {  	[timem:s7], [sflag:s23] =	dma.local [hbm:s5], s21  }
0x1c: {  	_ =	swait.ge [sflag:s23], s21  }
0x1d: {  	s4 =	ssub.s32 $0x0, s21;
	[sflag:s23] =	ssyncset.done $0x0  }
0x1e: {  	[sflag:s23] =	ssyncadd.s32 s4;
	_ =	sdelay $0x1  }
0x1f: {  	s24 =	simm.s32 $0x1B8B  }
0x20: {  	_ =	swait.ge [sflag:s24], $0x1  }
0x21: {  	[sflag:s24] =	ssyncset.done $0x0  }
0x22: {  	s26 =	simm.s32 $0x1B8E;
	s25 =	sld [smem:$0x3FFE];
	[sflag:s24] =	ssyncadd.s32 $0xFFFFFFFF  }
0x23: {  	s27 =	simm.s32 $execute0_lowered;
	[smem:$0x3FD2] =	sst s26  }
0x24: {  	s5 =	sshll.u32 s27, $0x1;
	_ =	strace $0x80000049;
	[dreg:$0x1] =	wrdreg $0xFFFFFFFF  }
0x25: {  	s28 =	simm.s32 $_size_execute0_lowered;
	s3 =	sadd.s32 s3, s5;
	[dreg:$0x0] =	wrdreg $0x0  }
0x26: {  	s5 =	sshll.u32 s28, $0x1;
	[dreg:$0x2] =	wrdreg s3  }
0x27: {  	[dreg:$0x3] =	wrdreg s5  }
0x28: {  	[dreg:$0x4] =	wrdreg $0xC0  }
0x29: {  	_ =	task [dreg:s7], $0x5FFFF  }
0x2a: {  	[dreg:$0x1] =	wrdreg $0xFFFFFFFF  }
0x2b: {  	[dreg:$0x0] =	wrdreg $0x60  }
0x2c: {  	[dreg:$0x2] =	wrdreg s25  }
0x2d: {  	[dreg:$0x3] =	wrdreg s17  }
0x2e: {  	[dreg:$0x4] =	wrdreg $0x9  }
0x2f: {  	_ =	task.clear_ibuf [dreg:s7], $0x5FFFF;
	_ =	strace $0x90000049  }
0x30: {  	s29 =	simm.s32 $0x9;
	_ =	strace $0x8000004B  }
0x31: {  	_ =	swait.ge [sflag:s29], $0x1  }
0x32: {  	[sflag:s29] =	ssyncadd.s32 $0xFFFFFFFF  }
0x33: {  	_ =	strace $0x9000004B  }
0x34: {  	_ =	sfence  }
0x35: {  	s30 =	sld [smem:$0x0];
	_ =	sdelay $0x2  }
0x36: {  	s31 =	sshll.u32 s1, $0xD;
	s1 =	sshrl.u32 s1, $0x2  }
0x37: {  	s3 =	sand.u32 $0x4000, s31;
	s1 =	sadd.s32 s1, s30  }
0x38: {  	s0 =	sor.u32 s3, s0;
	s1 =	sshll.u32 s1, $0x11  }
0x39: {  	s0 =	sor.u32 s1, s0  }
0x3a: {  	s0 =	sadd.s32 $0x8F2B, s0  }
0x3b: {  	[sflag:s0] =	ssyncadd.remote.s32 $0x1  }
0x3c: {  	_ =	sfence.sel $0xFFFF  }
0x3d: {  	[dreg:$0x0] =	wrdreg $0xFFFFFFFF;
	(pc) =	sbr.abs _section_cstart, $3  }
0x3e: {  	[dreg:$0x1] =	wrdreg $0xFFFFFFFF  }
0x3f: {  	_ =	task.clear_ibuf [dreg:s7], $0x2FFFF;
	_ =	strace $0x9FFFFFFF  }
0x40: {  	(tm) =	ssettm $0x7FFFFFFF  }
0x41: {  	_ =	shalt  }
tec
execute0_lowered:
.L_overlay_start_1:
0x0: {  	(tag) =	ssettag $0x1  }
0x1: {  	s1 =	rddreg [dreg:$0x0]  }
0x2: {  	s0 =	stileid.u32;
	s3 =	srdreg.scid  }
0x3: {  	_ =	strace $0x8000004A;
	s2 =	simm.s32 $0x1;
	s8 =	simm.s32 $0x2  }
0x4: {  	s15 =	simm.s32 $0x0;
	s16 =	simm.s32 $0x0;
	s10 =	simm.s32 $0x0  }
0x5: {  	s12 =	simm.s32 $0x0;
	s4 =	sshll.u32 s0, $0x4;
	s3 =	sshll.u32 s3, $0x8  }
.Ltmp0:
0x6: {  	s14 =	simm.s32 $0x0;
	s3 =	sor.u32 s4, s3;
	(pc) =	sbr.rel .LBB1_1-.Ltmp0, $4  }
0x7: {  	s24 =	simm.s32 $0x0;
	s1 =	sadd.s32 $0x1200, s1;
	s3 =	sand.u32 $0x180, s3  }
0x8: {  	[sflag:s2] =	ssyncpa.u1 $0x0;
	s7 =	sand.u32 $0x7, s0;
	s31 =	ssub.s32 $0x4E00, s3  }
0x9: {  	[dreg:$0x3] =	wrdreg s1;
	[sflag:s8] =	ssyncpa.u1 $0x0;
	s6 =	sshrl.u32 s31, $0x9  }
0xa: {  	s13 =	smov.u32 s7;
	s11 =	smov.u32 s3;
	s8 =	sadd.s32 $0x2, s6  }
.LBB1_7:
0xb: {  	s1 =	sshll.u32 s10, $0x3  }
0xc: {  	s2 =	sand.u32 $0x7F, s10;
	s1 =	sand.u32 $0xFFFFFC00, s1  }
0xd: {  	s2 =	sor.u32 s2, s1;
	s1 =	smulhi.u32 $0x342DA7F3, s1  }
0xe: {  	p0 =	sgt.s32 s10, $0x4E00;
	s0 =	smov.u32 s10  }
0xf: {  	s0 =	simm.s32 @!p0 $0x4E00;
	s23 =	smulhi.u32 $0x342DA7F3, s2;
	s1 =	sshrl.u32 s1, $0xC  }
0x10: {  	s0 =	sadd.s32 s18, s0;
	s5 =	smulhi.u32 $0x3333334, s1  }
0x11: {  	s25 =	smul.u32 $0x31100, s12;
	s4 =	sadd.s32 $0xFFFFB200, s0;
	s0 =	ssub.s32 $0x4E80, s0  }
0x12: {  	p0 =	sgt.s32 s4, $0x7F;
	s4 =	sshrl.u32 s23, $0xC;
	s5 =	smul.u32 $0x50, s5  }
0x13: {  	s26 =	rddreg [dreg:$0x1];
	s0 =	simm.s32 @p0 $0x0;
	s4 =	smul.u32 $0x4E80, s4  }
0x14: {  	s29 =	sor.u32 $0x8000, s19;
	s0 =	smul.u32 s0, s17;
	s1 =	ssub.s32 s1, s5  }
0x15: {  	s31 =	simm.s32 $0x27400;
	s2 =	ssub.s32 s2, s4;
	s1 =	smul.u32 $0x9D0, s1  }
0x16: {  	s0 =	smul.u32 $0x50, s0;
	s4 =	sadd.s32 s26, s25;
	s27 =	sand.u32 $0x7, s2  }
0x17: {  	s2 =	sshrl.u32 s2, $0x3;
	s28 =	sshll.u32 s27, $0x12;
	s1 =	sadd.s32 s1, s4  }
0x18: {  	s0 =	sand.u32 $0x3FFFFFF0, s0;
	s30 =	sor.u32 $0x400, s28;
	s1 =	sadd.s32 s2, s1  }
0x19: {  	[hbm4b:s1+s30] =	stream.strided.scatter [tilespmem:s29], [sflag:$0x2], s0, s31, s30, $0x20;
	[tilespmem:$0x10100] =	vst v63  }
.LBB1_8:
0x1a: {  	p0 =	slt.u32 s14, $0x2  }
0x1b: {  	s1 =	smov.u32 s16;
	s2 =	smov.u32 s15;
	p1 =	sgt.s32 @!p0 s16, $0x7  }
0x1c: {  	s0 =	sshra.s32 @!p0 s16, $0x1F;
	p2 =	sgt.s32 @!p0 s15, $0x4E00;
	s4 =	sshra.s32 @!p0 s15, $0x1F  }
0x1d: {  	p1 =	por !p1, p0;
	s0 =	sand.u32 @!p0 s0, s16;
	p2 =	por !p2, p0  }
0x1e: {  	s4 =	sand.u32 @!p0 s4, s15;
	s1 =	simm.s32 @p1 $0x7;
	s2 =	simm.s32 @p2 $0x4E00  }
0x1f: {  	s0 =	ssub.s32 @!p0 s1, s0;
	s1 =	ssub.s32 @!p0 s2, s4  }
0x20: {  	s2 =	sadd.s32 @!p0 $0xFFFFFFF9, s0;
	s0 =	ssub.s32 @!p0 $0x8, s0;
	s4 =	sadd.s32 @!p0 $0xFFFFB200, s1  }
0x21: {  	p1 =	sgt.s32 @!p0 s2, $0x0;
	s0 =	smul.u32 @!p0 $0x50, s0;
	p2 =	sgt.s32 @!p0 s4, $0x7F  }
0x22: {  	s1 =	ssub.s32 @!p0 $0x4E80, s1;
	p1 =	por !p1, p0;
	p2 =	por !p2, p0  }
0x23: {  	s0 =	simm.s32 @!p1 $0x0;
	s1 =	simm.s32 @!p2 $0x0  }
0x24: {  	s0 =	smul.u32 @!p0 s1, s0;
	s1 =	sadd.s32 $0x200, s11  }
0x25: {  	s5 =	smov.u32 s13;
	s4 =	sadd.s32 $0x8, s13;
	p1 =	sgt.s32 s1, $0x4E1F  }
0x26: {  	s5 =	smov.u32 @p1 s4  }
0x27: {  	s1 =	smov.u32 @p1 s3;
	p1 =	sgt.s32 s5, $0x7  }
0x28: {  	s5 =	smov.u32 @p1 s7;
	p1 =	sne.s32 s14, s8  }
.Ltmp1:
0x29: {  	s15 =	smov.u32 s10;
	(pc) =	sbr.rel @!p1 .LBB1_9-.Ltmp1, $4  }
0x2a: {  	s16 =	smov.u32 s12;
	s2 =	simm.s32 @!p0 $0x2;
	s0 =	sand.u32 @!p0 $0x3FFFFFF0, s0  }
0x2b: {  	s10 =	smov.u32 s11;
	s12 =	smov.u32 s13;
	_ =	swait.ge @!p0 [sflag:s2], s0  }
0x2c: {  	s0 =	ssub.s32 @!p0 $0x0, s0;
	s11 =	smov.u32 s1;
	[sflag:s2] =	ssyncset.done @!p0 $0x0  }
0x2d: {  	s14 =	sadd.s32 $0x1, s14;
	[sflag:s2] =	ssyncadd.s32 @!p0 s0;
	s13 =	smov.u32 s5  }
.LBB1_1:
0x2e: {  	p0 =	sgt.u32 s14, s6;
	s17 =	smov.u32 s13;
	s20 =	smov.u32 s11  }
0x2f: {  	s0 =	rddreg [dreg:$0x3];
	p1 =	sgt.s32 @!p0 s13, $0x7;
	s1 =	sand.u32 @!p0 $0x1FFFFFF, s11  }
0x30: {  	s19 =	sshra.s32 @!p0 s13, $0x1F;
	s21 =	sshra.s32 @!p0 s11, $0x1F;
	p1 =	por !p1, p0  }
0x31: {  	s18 =	smulhi.u32 @!p0 $0x1A36E2F, s1;
	s17 =	simm.s32 @p1 $0x7;
	p1 =	sgt.s32 @!p0 s11, $0x4DA0  }
0x32: {  	s19 =	sand.u32 @!p0 s19, s13;
	s21 =	sand.u32 @!p0 s21, s11;
	p1 =	por !p1, p0  }
0x33: {  	s17 =	ssub.s32 @!p0 s17, s19;
	s18 =	sshrl.u32 @!p0 s18, $0x7;
	s20 =	simm.s32 @p1 $0x4DA0  }
0x34: {  	s17 =	sadd.s32 @!p0 $0xFFFFFFF9, s17;
	s18 =	smul.u32 @!p0 $0x4E20, s18;
	s19 =	ssub.s32 @!p0 s20, s21  }
0x35: {  	p1 =	sgt.s32 @!p0 s17, $0x0;
	s17 =	sshll.u32 @!p0 s17, $0x7;
	s20 =	sadd.s32 @!p0 $0xFFFFB260, s19  }
0x36: {  	s21 =	smul.u32 @!p0 $0x4E200, s13;
	s19 =	ssub.s32 @!p0 $0x4E20, s19;
	p2 =	sgt.s32 @!p0 s20, $0x7F  }
0x37: {  	s17 =	ssub.s32 @!p0 $0x80, s17;
	p1 =	por !p1, p0;
	p2 =	por !p2, p0  }
0x38: {  	s20 =	sxor.u32 @!p0 $0xFFFFFFFF, s14;
	s17 =	simm.s32 @!p1 $0x0;
	s19 =	simm.s32 @!p2 $0x0  }
0x39: {  	s1 =	ssub.s32 @!p0 s1, s18;
	s18 =	sshll.u32 @!p0 s20, $0xE;
	s17 =	smul.u32 @!p0 s19, s17  }
0x3a: {  	s1 =	sshll.u32 @!p0 s1, $0x4;
	s18 =	sand.u32 @!p0 $0x4000, s18;
	s19 =	sadd.s32 @!p0 s0, s21  }
0x3b: {  	s1 =	sadd.s32 @!p0 s1, s19;
	s19 =	simm.s32 @!p0 $0x0;
	s17 =	sand.u32 @!p0 $0x3FFFFF80, s17  }
0x3c: {  	[tilespmem:s18], [sflag:$0x1] =	stream.linear.gather @!p0 [hbm4b:s1+s19], s17, $0x38;
	[tilespmem:$0x10100] =	vst v63  }
0x3d: {  	p0 =	seq.s32 s14, $0x0  }
0x3e: {  	p1 =	sge.u32 @!p0 s14, s8  }
0x3f: {  	p0 =	por p0, p1  }
.Ltmp2:
0x40: {  	_ = 	snop;
	(pc) =	sbr.rel @p0 .LBB1_8-.Ltmp2, $1  }
0x41: {  	_ =	sdelay $0x3  }
0x42: {  	p0 =	sgt.s32 s12, $0x7;
	s1 =	smov.u32 s12;
	s17 =	sshra.s32 s12, $0x1F  }
0x43: {  	s18 =	ssub.s32 $0x0, s10;
	s19 =	sshra.s32 s10, $0x1F;
	s20 =	smov.u32 s10  }
0x44: {  	s1 =	simm.s32 @!p0 $0x7;
	s17 =	sand.u32 s17, s12;
	p0 =	sgt.s32 s10, $0x4DA0  }
0x45: {  	s18 =	sand.u32 s18, s19;
	s1 =	ssub.s32 s1, s17;
	s20 =	simm.s32 @!p0 $0x4DA0  }
0x46: {  	s17 =	sadd.s32 $0xFFFFFFF9, s1;
	s19 =	sadd.s32 s18, s20  }
0x47: {  	p0 =	sgt.s32 s17, $0x0;
	s20 =	sadd.s32 $0xFFFFB260, s19  }
0x48: {  	s17 =	ssub.s32 $0x8, s1;
	s1 =	ssub.s32 $0x4E20, s19;
	s19 =	sadd.s32 $0x1, s12  }
0x49: {  	s21 =	sadd.s32 $0x80, s10;
	s17 =	simm.s32 @p0 $0x0;
	p0 =	slt.s32 s19, $0x8  }
0x4a: {  	s19 =	simm.s32 @!p0 $0x8;
	p0 =	slt.s32 s21, $0x4E20  }
0x4b: {  	p1 =	sgt.s32 s20, $0x7F;
	s20 =	ssub.s32 s19, s12;
	s21 =	simm.s32 @!p0 $0x4E20  }
0x4c: {  	s1 =	simm.s32 @p1 $0x0;
	s21 =	ssub.s32 s21, s10;
	p0 =	slt.s32 s20, $0x1  }
0x4d: {  	s1 =	smul.u32 s1, s17;
	p1 =	slt.s32 @!p0 s21, $0x1  }
0x4e: {  	p1 =	por p0, p1  }
.Ltmp3:
0x4f: {  	s1 =	sshll.u32 s1, $0x7;
	(pc) =	sbr.rel @p1 .LBB1_7-.Ltmp3, $4  }
0x50: {  	s0 =	simm.s32 $0x1;
	s31 =	sand.u32 $0x3FFFFF80, s1  }
0x51: {  	_ =	swait.ge [sflag:s0], s31  }
0x52: {  	s1 =	sand.u32 $0x1, s14;
	s19 =	ssub.s32 $0x0, s31;
	[sflag:s0] =	ssyncset.done $0x0  }
0x53: {  	[sflag:s0] =	ssyncadd.s32 s19;
	s19 =	smul.u32 $0x4080, s1  }
0x54: {  	_ = 	snop  }
0x55: {  	s22 =	sshll.u32 @!p0 s1, $0xE;
	s25 =	simm.s32 $0x0;
	s23 =	sor.u32 @!p0 $0x8000, s19  }
.LBB1_4:
0x56: {  	s1 =	sshll.u32 s25, $0x10  }
0x57: {  	s26 =	smul.u32 $0x10200, s25;
	s1 =	sshra.s32 s1, $0x2  }
0x58: {  	s27 =	simm.s32 $0x1;
	s29 =	simm.s32 $0x10;
	s1 =	sadd.s32 s1, s22  }
0x59: {  	s9 =	simm.s32 $0x0;
	s30 =	simm.s32 $0x20;
	s29 =	sand.u32 $0x78, s29;
	v0 =	vmov s1  }
0x5a: {  	s0 =	simm.s32 $0x30;
	s30 =	sand.u32 $0x78, s30;
	s29 =	smul.u32 $0x204, s29  }
0x5b: {  	p0 =	sne.s32 s21, $0x1;
	s0 =	sand.u32 $0x78, s0;
	s30 =	smul.u32 $0x204, s30  }
0x5c: {  	s28 =	sand.u32 $0x3F80, s24;
	s0 =	smul.u32 $0x204, s0;
	s1 =	sand.u32 $0x78, s9  }
0x5d: {  	s26 =	sshra.s32 s26, $0x2;
	s31 =	sxor.u32 $0x40, s1;
	s1 =	smul.u32 $0x204, s1  }
0x5e: {  	s2 =	sand.u32 $0x7F, s24;
	s26 =	sadd.s32 s26, s23;
	s31 =	smul.u32 $0x204, s31;
	v3 =	vld.idx.msk [tilespmem:v0+s28+$0x40 ss:$0x1], $0xffff  }
0x5f: {  	s29 =	sshrl.u32 s29, $0x2;
	s30 =	sshrl.u32 s30, $0x2;
	s0 =	sshrl.u32 s0, $0x2;
	v4 =	vld.idx.msk [tilespmem:v0+s28+$0x0 ss:$0x1], $0xffff  }
.Ltmp4:
0x60: {  	s29 =	sadd.s32 s29, s26;
	s31 =	sshrl.u32 s31, $0x2;
	(pc) =	sbr.rel @!p0 .LBB1_6-.Ltmp4, $4  }
0x61: {  	s30 =	sadd.s32 s30, s26;
	s1 =	sshrl.u32 s1, $0x2;
	s31 =	sadd.s32 s31, s26;
	v1 =	vld.idx.msk [tilespmem:v0+s28+$0x10 ss:$0x1], $0xffff  }
0x62: {  	s0 =	sadd.s32 s0, s26;
	s1 =	sadd.s32 s1, s26;
	s31 =	sadd.s32 s2, s31  }
0x63: {  	s9 =	sadd.s32 s2, s1;
	v2 =	vld.idx.msk [tilespmem:v0+s28+$0x20 ss:$0x1], $0xffff;
	s1 =	sadd.s32 s2, s29;
	s29 =	simm.s32 $0x0;
	[tilespmem:s31+$0x0 ss:$0x81] =	vst.msk $0xffff, v3  }
0x64: {  	s31 =	sadd.s32 s2, s30;
	v3 =	vld.idx.msk [tilespmem:v0+s28+$0x30 ss:$0x1], $0xffff;
	[tilespmem:s9+$0x0 ss:$0x81] =	vst.msk $0xffff, v4;
	s30 =	sadd.s32 s2, s0;
	s28 =	simm.s32 $0x1808  }
.LBB1_5:
0x65: {  	s0 =	sadd.s32 $0xFFFFE800, s28  }
0x66: {  	s2 =	sadd.s32 $0xFFFFF000, s28;
	[tilespmem:s1+$0x0 ss:$0x81] =	vst.msk $0xffff, v1;
	s1 =	smov.u32 s27;
	s27 =	sadd.s32 $0x1, s27  }
0x67: {  	s29 =	sadd.s32 $0x80, s29;
	s4 =	sshrl.u32 s28, $0x7;
	s0 =	sshrl.u32 s0, $0x7  }
0x68: {  	p0 =	sne.s32 s21, s27;
	[tilespmem:s31+$0x0 ss:$0x81] =	vst.msk $0xffff, v2;
	s9 =	sand.u32 $0x3F80, s29;
	s31 =	sadd.s32 $0xFFFFF800, s28  }
0x69: {  	s2 =	sshrl.u32 s2, $0x7;
	s4 =	sand.u32 $0x78, s4;
	s0 =	sand.u32 $0x78, s0;
	[tilespmem:s30+$0x0 ss:$0x81] =	vst.msk $0xffff, v3  }
0x6a: {  	s30 =	sshrl.u32 s31, $0x7;
	s4 =	smul.u32 $0x204, s4;
	v4 =	vld.idx.msk [tilespmem:v0+s9+$0x40 ss:$0x1], $0xffff;
	s31 =	sxor.u32 $0x40, s0  }
0x6b: {  	s2 =	sand.u32 $0x78, s2;
	v5 =	vld.idx.msk [tilespmem:v0+s9+$0x0 ss:$0x1], $0xffff;
	s31 =	smul.u32 $0x204, s31  }
0x6c: {  	s0 =	smul.u32 $0x204, s0;
	s30 =	sand.u32 $0x78, s30;
	v1 =	vld.idx.msk [tilespmem:v0+s9+$0x10 ss:$0x1], $0xffff  }
0x6d: {  	s2 =	smul.u32 $0x204, s2;
	v2 =	vld.idx.msk [tilespmem:v0+s9+$0x20 ss:$0x1], $0xffff;
	s31 =	sshrl.u32 s31, $0x2  }
0x6e: {  	s5 =	sand.u32 $0x7F, s1;
	s1 =	smul.u32 $0x204, s30;
	v3 =	vld.idx.msk [tilespmem:v0+s9+$0x30 ss:$0x1], $0xffff;
	s9 =	sadd.s32 s31, s26  }
.Ltmp5:
0x6f: {  	s0 =	sshrl.u32 s0, $0x2;
	s9 =	sadd.s32 s5, s9;
	(pc) =	sbr.rel @p0 .LBB1_5-.Ltmp5, $4  }
0x70: {  	s2 =	sshrl.u32 s2, $0x2;
	s0 =	sadd.s32 s0, s26;
	s1 =	sshrl.u32 s1, $0x2;
	[tilespmem:s9+$0x0 ss:$0x81] =	vst.msk $0xffff, v4  }
0x71: {  	s4 =	sshrl.u32 s4, $0x2;
	s2 =	sadd.s32 s2, s26;
	s9 =	sadd.s32 s1, s26  }
0x72: {  	s0 =	sadd.s32 s5, s0;
	s1 =	sadd.s32 s5, s2;
	s2 =	sadd.s32 s4, s26  }
0x73: {  	s28 =	sadd.s32 $0x8, s28;
	s31 =	sadd.s32 s5, s9;
	s30 =	sadd.s32 s5, s2;
	[tilespmem:s0+$0x0 ss:$0x81] =	vst.msk $0xffff, v5  }
.LBB1_6:
0x74: {  	s25 =	sadd.s32 $0x1, s25  }
0x75: {  	p0 =	sne.s32 s25, s20  }
.Ltmp6:
0x76: {  	_ = 	snop;
	(pc) =	sbr.rel @p0 .LBB1_4-.Ltmp6, $4  }
.Ltmp7:
0x77: {  	_ = 	snop;
	(pc) =	sbr.rel @!p0 .LBB1_7-.Ltmp7, $4  }
0x78: {  	[tilespmem:s1+$0x0 ss:$0x81] =	vst.msk $0xffff, v1  }
0x79: {  	[tilespmem:s31+$0x0 ss:$0x81] =	vst.msk $0xffff, v2  }
0x7a: {  	[tilespmem:s30+$0x0 ss:$0x81] =	vst.msk $0xffff, v3  }
0x7b: {  	_ = 	snop  }
.LBB1_9:
0x7c: {  	_ =	sfence.sel $0x180000  }
0x7d: {  	s0 =	simm.s32 $0x1;
	[bflag:$0x0] =	sbarrier.arrive $0xFFFF  }
0x7e: {  	s30 =	simm.s32 $0x2;
	[sflag:s0] =	ssyncpa.u1 $0x1  }
0x7f: {  	[sflag:s30] =	ssyncpa.u1 $0x1  }
0x80: {  	_ =	strace $0x9000004A  }
0x81: {  	s31 =	stileid.u32;
	[bflag:$0x2] =	sbarrier.arrive $0xFFFF  }
0x82: {  	p0 =	sne.s32 s31, $0x0;
	s0 =	rddreg [dreg:$0x2]  }
0x83: {  	s0 =	sadd.s32 @!p0 $0x100000, s0  }
0x84: {  	[sflag:s0] =	ssyncadd.tile.s32 @!p0 $0x1;
	_ =	shalt  }
.Lfunc_end1:
_tile_overlayer_lowered:
.L_overlay_start_2:
0x85: {  	(tag) =	ssettag $0x2  }
0x86: {  	s0 =	rddreg [dreg:$0x0];
	s2 =	stileid.u32  }
0x87: {  	s1 =	rddreg [dreg:$0x1];
	p0 =	sne.s32 s2, $0x0  }
0x88: {  	s3 =	rddreg [dreg:$0x2];
	[bflag:$0x3] =	sbarrier.arrive $0xFFFF;
	s2 =	simm.s32 @!p0 $0x1C01  }
0x89: {  	[timem:s3], [sflag:s2] =	dma.local @!p0 [hbm:s0], s1  }
0x8a: {  	s0 =	simm.s32 @!p0 $0x1  }
0x8b: {  	_ =	swait.ge @!p0 [sflag:s0], s1  }
0x8c: {  	s1 =	ssub.s32 @!p0 $0x0, s1;
	[sflag:s0] =	ssyncset.done @!p0 $0x0  }
0x8d: {  	[sflag:s0] =	ssyncadd.s32 @!p0 s1  }
0x8e: {  	[bflag:$0x3] =	sbarrier.arrive $0xFFFF  }
0x8f: {  	_ =	shalt  }

</sc_bundles>
